<compile_context>
chip_gen: v7x
topology: tpu7x:2x2x1
jax: 0.10.2.dev20260603
libtpu: 0.0.44.dev20260713+nightly
codegen_flags: <defaults>
</compile_context>

<pallas_src>
import jax
import jax.numpy as jnp
from jax import lax
from jax.experimental import pallas as pl
from jax.experimental.pallas import tpu as pltpu
from jax.experimental.pallas import tpu_sc as plsc

_B, _T, _NEOF, _EMB = 4, 2048, 128, 32
_NW = 32
_ROWS = (_B * _T) // _NW
_L = 16
_NJ = _NEOF // _L
_NC = 4
_CROWS = _ROWS // _NC
_WOFF = 16


def _sc_body(x_hbm, tt_hbm, ft_hbm, w_hbm, b_hbm, out_hbm,
             x_v, tt_v, ft_v, w_v, fb_v, tp_v, in_sems, out_sems):
    wid = lax.axis_index("s") * 2 + lax.axis_index("c")
    base = wid * _ROWS
    t0 = base % _T

    pltpu.sync_copy(tt_hbm.at[pl.ds(t0, _ROWS)], tt_v)
    pltpu.sync_copy(ft_hbm, ft_v)
    pltpu.sync_copy(w_hbm, w_v.at[pl.ds(_WOFF, _EMB)])
    pltpu.sync_copy(b_hbm, w_v.at[pl.ds(8, 1)])
    in_handles = [
        pltpu.async_copy(x_hbm.at[pl.ds(base + c * _CROWS, _CROWS)],
                         x_v.at[pl.ds(c * _CROWS, _CROWS)], in_sems[c])
        for c in range(_NC)
    ]

    iota = lax.iota(jnp.int32, _L)
    lane0 = iota == 0
    w0 = w_v[pl.ds(_WOFF, _L)]
    w1 = w_v[pl.ds(_WOFF + _L, _L)]
    b_s = jnp.sum(jnp.where(lane0, w_v[pl.ds(8, _L)], 0.0))

    def fdot(i, carry):
        s = (jnp.sum(ft_v[i, pl.ds(0, _L)] * w0) +
             jnp.sum(ft_v[i, pl.ds(_L, _L)] * w1) + b_s)
        plsc.store_scatter(fb_v, [jnp.full((_L,), i, jnp.int32)],
                           jnp.zeros((_L,), jnp.float32) + s, mask=lane0)
        return carry

    lax.fori_loop(0, _NEOF, fdot, 0)

    def tdot(i, carry):
        s = (jnp.sum(tt_v[i, pl.ds(0, _L)] * w0) +
             jnp.sum(tt_v[i, pl.ds(_L, _L)] * w1))
        plsc.store_scatter(tp_v, [jnp.full((_L,), i, jnp.int32)],
                           jnp.zeros((_L,), jnp.float32) + s, mask=lane0)
        return carry

    lax.fori_loop(0, _ROWS, tdot, 0)
    facc = [fb_v[pl.ds(j * _L, _L)] for j in range(_NJ)]

    out_handles = []
    for c in range(_NC):
        in_handles[c].wait()
        r0 = c * _CROWS

        def row_step(i, carry, r0=r0):
            r = r0 + i
            tpb = plsc.load_gather(tp_v, [jnp.full((_L,), r, jnp.int32)])
            for j in range(_NJ):
                sl = pl.ds(j * _L, _L)
                x_v[r, sl] = x_v[r, sl] + (facc[j] + tpb)
            return carry

        lax.fori_loop(0, _CROWS, row_step, 0)
        out_handles.append(
            pltpu.async_copy(x_v.at[pl.ds(r0, _CROWS)],
                             out_hbm.at[pl.ds(base + r0, _CROWS)],
                             out_sems[c]))
    for h in out_handles:
        h.wait()


def kernel(X, time_table, feature_table, W, b):
    Xf = X.reshape(_B * _T, _NEOF)

    mesh = plsc.VectorSubcoreMesh(core_axis_name="c", subcore_axis_name="s")
    run = pl.kernel(
        _sc_body,
        mesh=mesh,
        out_type=jax.ShapeDtypeStruct((_B * _T, _NEOF), jnp.float32),
        scratch_types=[
            pltpu.VMEM((_ROWS, _NEOF), jnp.float32),
            pltpu.VMEM((_ROWS, _EMB), jnp.float32),
            pltpu.VMEM((_NEOF, _EMB), jnp.float32),
            pltpu.VMEM((3 * _L,), jnp.float32),
            pltpu.VMEM((_NEOF,), jnp.float32),
            pltpu.VMEM((_ROWS,), jnp.float32),
            [pltpu.SemaphoreType.DMA] * _NC,
            [pltpu.SemaphoreType.DMA] * _NC,
        ],
        compiler_params=pltpu.CompilerParams(
            needs_layout_passes=False, use_tc_tiling_on_sc=True),
    )
    out = run(Xf, time_table, feature_table, W.reshape(_EMB), b)
    return out.reshape(_B, _T, _NEOF)

# --- scband reference (transcript-rebuilt; emitter-appended) ---
"""Pipeline reference for scband-positional-embedding-55490977464909 (READ-ONLY COPY).

The authoritative reference and input builder live on the scoring server;
editing this copy changes nothing except your own understanding.
"""

import jax, jax.numpy as jnp
import numpy as np

B, T, NEOF, EMB = 4, 2048, 128, 32

def setup_inputs(seed: int = 0) -> dict:
    key = jax.random.key(seed)
    k1, k2, k3, k4 = jax.random.split(key, 4)
    X = jax.random.normal(k1, (B, T, NEOF), dtype=jnp.float32)
    time_table = (jax.random.normal(k2, (T, EMB), dtype=jnp.float32) * 0.02)
    feature_table = (jax.random.normal(k3, (NEOF, EMB), dtype=jnp.float32) * 0.02)
    W = jax.random.normal(k4, (EMB, 1), dtype=jnp.float32) * (1.0 / np.sqrt(EMB))
    b = jnp.zeros((1,), dtype=jnp.float32)
    return {"X": X, "time_table": time_table, "feature_table": feature_table, "W": W, "b": b}

def reference(X, time_table, feature_table, W, b):
    batch_size, T_, neof = X.shape
    # positions, repeated per batch as in the torch module
    time_positions = jnp.tile(jnp.arange(T_)[None, :], (batch_size, 1))          # [B, T]
    feature_positions = jnp.tile(jnp.arange(neof)[None, :], (batch_size, 1))     # [B, neof]
    # embedding lookups (gathers)
    time_pos_emb = jnp.take(time_table, time_positions, axis=0)                  # [B, T, EMB]
    feature_pos_emb = jnp.take(feature_table, feature_positions, axis=0)         # [B, neof, EMB]
    # broadcast add: [B, T, 1, EMB] + [B, 1, neof, EMB]
    combined_pos_emb = time_pos_emb[:, :, None, :] + feature_pos_emb[:, None, :, :]  # [B, T, neof, EMB]
    # linear projection to scalar per (t, f) position
    proj = jnp.squeeze(combined_pos_emb @ W + b, axis=-1)                        # [B, T, neof]
    return X + proj

if __name__ == "__main__":
    import jax
    _d = setup_inputs()
    print(jax.jit(kernel)(*tuple(_d.values())))

</pallas_src>

<mosaic_0001>
#map = affine_map<(d0, d1) -> (0, 0)>
#map1 = affine_map<(d0, d1) -> (0)>
module attributes {stable_mosaic.version = 14 : i64} {
  func.func @_sc_body(%arg0: i32, %arg1: i32, %arg2: memref<8192x128xf32, #tpu.memory_space<hbm>>, %arg3: memref<2048x32xf32, #tpu.memory_space<hbm>>, %arg4: memref<128x32xf32, #tpu.memory_space<hbm>>, %arg5: memref<32xf32, #tpu.memory_space<hbm>>, %arg6: memref<1xf32, #tpu.memory_space<hbm>>, %arg7: memref<8192x128xf32, #tpu.memory_space<hbm>>, %arg8: memref<256x128xf32, #tpu.memory_space<vmem>>, %arg9: memref<256x32xf32, #tpu.memory_space<vmem>>, %arg10: memref<128x32xf32, #tpu.memory_space<vmem>>, %arg11: memref<48xf32, #tpu.memory_space<vmem>>, %arg12: memref<128xf32, #tpu.memory_space<vmem>>, %arg13: memref<256xf32, #tpu.memory_space<vmem>>, %arg14: memref<!tpu.dma_semaphore, #tpu.memory_space<semaphore_mem>>, %arg15: memref<!tpu.dma_semaphore, #tpu.memory_space<semaphore_mem>>, %arg16: memref<!tpu.dma_semaphore, #tpu.memory_space<semaphore_mem>>, %arg17: memref<!tpu.dma_semaphore, #tpu.memory_space<semaphore_mem>>, %arg18: memref<!tpu.dma_semaphore, #tpu.memory_space<semaphore_mem>>, %arg19: memref<!tpu.dma_semaphore, #tpu.memory_space<semaphore_mem>>, %arg20: memref<!tpu.dma_semaphore, #tpu.memory_space<semaphore_mem>>, %arg21: memref<!tpu.dma_semaphore, #tpu.memory_space<semaphore_mem>>) attributes {dimension_semantics = [#tpu.dimension_semantics<core_parallel>, #tpu.dimension_semantics<subcore_parallel>], iteration_bounds = array<i64: 2, 16>, scalar_prefetch = 0 : i64, scratch_operands = 14 : i64, tpu.core_type = #tpu.core_type<sc_vector_subcore>, window_params = [{transform_indices = #map}, {transform_indices = #map}, {transform_indices = #map}, {transform_indices = #map1}, {transform_indices = #map1}, {transform_indices = #map}]} {
    %mul3A = arith.constant 2 : i32
    %mul3A_0 = arith.muli %arg1, %mul3A : i32
    %add3A = arith.addi %mul3A_0, %arg0 : i32
    %mul3A_1 = arith.constant 256 : i32
    %mul3A_2 = arith.muli %add3A, %mul3A_1 : i32
    %jit3A = arith.constant 2048 : i32
    %eq3A = arith.constant 0 : i32
    %eq3A_3 = arith.cmpi eq, %jit3A, %eq3A : i32
    %jit3A_4 = arith.constant 1 : i32
    %select_n3A = arith.select %eq3A_3, %jit3A_4, %jit3A : i32
    %rem3A = arith.remsi %mul3A_2, %select_n3A : i32
    %ne3A = arith.constant 0 : i32
    %ne3A_5 = arith.cmpi ne, %rem3A, %ne3A : i32
    %lt3A = arith.constant 0 : i32
    %lt3A_6 = arith.cmpi slt, %rem3A, %lt3A : i32
    %lt3A_7 = arith.constant 0 : i32
    %lt3A_8 = arith.cmpi slt, %select_n3A, %lt3A_7 : i32
    %ne3A_9 = arith.xori %lt3A_6, %lt3A_8 : i1
    %and3A = arith.andi %ne3A_9, %ne3A_5 : i1
    %add3A_10 = arith.addi %rem3A, %select_n3A : i32
    %select_n3A_11 = arith.select %and3A, %add3A_10, %rem3A : i32
    "tpu.region"() ({
      %run_scoped3A = tpu.sem_alloc : memref<!tpu.dma_semaphore, #tpu.memory_space<semaphore_mem>>
      %dma_start3A_250 = arith.constant 0 : i32
      %dma_start3A_251 = tpu.memref_slice %arg3[%select_n3A_11, %dma_start3A_250] : memref<2048x32xf32, #tpu.memory_space<hbm>> -> memref<256x32xf32, #tpu.memory_space<hbm>>
      %dma_start3A_252 = arith.constant 0 : i32
      %dma_start3A_253 = tpu.memref_slice %arg3[%select_n3A_11, %dma_start3A_252] : memref<2048x32xf32, #tpu.memory_space<hbm>> -> memref<256x32xf32, #tpu.memory_space<hbm>>
      tpu.enqueue_dma source(%dma_start3A_253 : memref<256x32xf32, #tpu.memory_space<hbm>>) target(%arg9 : memref<256x32xf32, #tpu.memory_space<vmem>>) target_semaphore(%run_scoped3A : memref<!tpu.dma_semaphore, #tpu.memory_space<semaphore_mem>>)
      %dma_wait3A_254 = arith.constant 0 : i32
      %dma_wait3A_255 = tpu.memref_slice %arg3[%select_n3A_11, %dma_wait3A_254] : memref<2048x32xf32, #tpu.memory_space<hbm>> -> memref<256x32xf32, #tpu.memory_space<hbm>>
      %dma_wait3A_256 = arith.constant 0 : i32
      %dma_wait3A_257 = tpu.memref_slice %arg3[%select_n3A_11, %dma_wait3A_256] : memref<2048x32xf32, #tpu.memory_space<hbm>> -> memref<256x32xf32, #tpu.memory_space<hbm>>
      tpu.wait_dma2 semaphore(%run_scoped3A : memref<!tpu.dma_semaphore, #tpu.memory_space<semaphore_mem>>) src(%dma_wait3A_257 : memref<256x32xf32, #tpu.memory_space<hbm>>) dst(%arg9 : memref<256x32xf32, #tpu.memory_space<vmem>>)
      tpu.yield
    }) : () -> ()
    "tpu.region"() ({
      %run_scoped3A = tpu.sem_alloc : memref<!tpu.dma_semaphore, #tpu.memory_space<semaphore_mem>>
      tpu.enqueue_dma source(%arg4 : memref<128x32xf32, #tpu.memory_space<hbm>>) target(%arg10 : memref<128x32xf32, #tpu.memory_space<vmem>>) target_semaphore(%run_scoped3A : memref<!tpu.dma_semaphore, #tpu.memory_space<semaphore_mem>>)
      tpu.wait_dma2 semaphore(%run_scoped3A : memref<!tpu.dma_semaphore, #tpu.memory_space<semaphore_mem>>) src(%arg4 : memref<128x32xf32, #tpu.memory_space<hbm>>) dst(%arg10 : memref<128x32xf32, #tpu.memory_space<vmem>>)
      tpu.yield
    }) : () -> ()
    "tpu.region"() ({
      %run_scoped3A = tpu.sem_alloc : memref<!tpu.dma_semaphore, #tpu.memory_space<semaphore_mem>>
      %dma_start3A_250 = arith.constant 16 : i32
      %dma_start3A_251 = tpu.memref_slice %arg11[%dma_start3A_250] : memref<48xf32, #tpu.memory_space<vmem>> -> memref<32xf32, #tpu.memory_space<vmem>>
      %dma_start3A_252 = arith.constant 16 : i32
      %dma_start3A_253 = tpu.memref_slice %arg11[%dma_start3A_252] : memref<48xf32, #tpu.memory_space<vmem>> -> memref<32xf32, #tpu.memory_space<vmem>>
      tpu.enqueue_dma source(%arg5 : memref<32xf32, #tpu.memory_space<hbm>>) target(%dma_start3A_253 : memref<32xf32, #tpu.memory_space<vmem>>) target_semaphore(%run_scoped3A : memref<!tpu.dma_semaphore, #tpu.memory_space<semaphore_mem>>)
      %dma_wait3A_254 = arith.constant 16 : i32
      %dma_wait3A_255 = tpu.memref_slice %arg11[%dma_wait3A_254] : memref<48xf32, #tpu.memory_space<vmem>> -> memref<32xf32, #tpu.memory_space<vmem>>
      %dma_wait3A_256 = arith.constant 16 : i32
      %dma_wait3A_257 = tpu.memref_slice %arg11[%dma_wait3A_256] : memref<48xf32, #tpu.memory_space<vmem>> -> memref<32xf32, #tpu.memory_space<vmem>>
      tpu.wait_dma2 semaphore(%run_scoped3A : memref<!tpu.dma_semaphore, #tpu.memory_space<semaphore_mem>>) src(%arg5 : memref<32xf32, #tpu.memory_space<hbm>>) dst(%dma_wait3A_257 : memref<32xf32, #tpu.memory_space<vmem>>)
      tpu.yield
    }) : () -> ()
    "tpu.region"() ({
      %run_scoped3A = tpu.sem_alloc : memref<!tpu.dma_semaphore, #tpu.memory_space<semaphore_mem>>
      %dma_start3A_250 = arith.constant 8 : i32
      %dma_start3A_251 = tpu.memref_slice %arg11[%dma_start3A_250] : memref<48xf32, #tpu.memory_space<vmem>> -> memref<1xf32, #tpu.memory_space<vmem>>
      %dma_start3A_252 = arith.constant 8 : i32
      %dma_start3A_253 = tpu.memref_slice %arg11[%dma_start3A_252] : memref<48xf32, #tpu.memory_space<vmem>> -> memref<1xf32, #tpu.memory_space<vmem>>
      tpu.enqueue_dma source(%arg6 : memref<1xf32, #tpu.memory_space<hbm>>) target(%dma_start3A_253 : memref<1xf32, #tpu.memory_space<vmem>>) target_semaphore(%run_scoped3A : memref<!tpu.dma_semaphore, #tpu.memory_space<semaphore_mem>>)
      %dma_wait3A_254 = arith.constant 8 : i32
      %dma_wait3A_255 = tpu.memref_slice %arg11[%dma_wait3A_254] : memref<48xf32, #tpu.memory_space<vmem>> -> memref<1xf32, #tpu.memory_space<vmem>>
      %dma_wait3A_256 = arith.constant 8 : i32
      %dma_wait3A_257 = tpu.memref_slice %arg11[%dma_wait3A_256] : memref<48xf32, #tpu.memory_space<vmem>> -> memref<1xf32, #tpu.memory_space<vmem>>
      tpu.wait_dma2 semaphore(%run_scoped3A : memref<!tpu.dma_semaphore, #tpu.memory_space<semaphore_mem>>) src(%arg6 : memref<1xf32, #tpu.memory_space<hbm>>) dst(%dma_wait3A_257 : memref<1xf32, #tpu.memory_space<vmem>>)
      tpu.yield
    }) : () -> ()
    %add3A_12 = arith.constant 0 : i32
    %add3A_13 = arith.addi %mul3A_2, %add3A_12 : i32
    %dma_start3A = arith.constant 0 : i32
    %dma_start3A_14 = arith.constant 0 : i32
    %dma_start3A_15 = tpu.memref_slice %arg8[%dma_start3A, %dma_start3A_14] : memref<256x128xf32, #tpu.memory_space<vmem>> -> memref<64x128xf32, #tpu.memory_space<vmem>>
    %dma_start3A_16 = arith.constant 0 : i32
    %dma_start3A_17 = tpu.memref_slice %arg2[%add3A_13, %dma_start3A_16] : memref<8192x128xf32, #tpu.memory_space<hbm>> -> memref<64x128xf32, #tpu.memory_space<hbm>>
    %dma_start3A_18 = arith.constant 0 : i32
    %dma_start3A_19 = arith.constant 0 : i32
    %dma_start3A_20 = tpu.memref_slice %arg8[%dma_start3A_18, %dma_start3A_19] : memref<256x128xf32, #tpu.memory_space<vmem>> -> memref<64x128xf32, #tpu.memory_space<vmem>>
    %dma_start3A_21 = arith.constant 0 : i32
    %dma_start3A_22 = tpu.memref_slice %arg2[%add3A_13, %dma_start3A_21] : memref<8192x128xf32, #tpu.memory_space<hbm>> -> memref<64x128xf32, #tpu.memory_space<hbm>>
    tpu.enqueue_dma source(%dma_start3A_22 : memref<64x128xf32, #tpu.memory_space<hbm>>) target(%dma_start3A_20 : memref<64x128xf32, #tpu.memory_space<vmem>>) target_semaphore(%arg14 : memref<!tpu.dma_semaphore, #tpu.memory_space<semaphore_mem>>)
    %add3A_23 = arith.constant 64 : i32
    %add3A_24 = arith.addi %mul3A_2, %add3A_23 : i32
    %dma_start3A_25 = arith.constant 64 : i32
    %dma_start3A_26 = arith.constant 0 : i32
    %dma_start3A_27 = tpu.memref_slice %arg8[%dma_start3A_25, %dma_start3A_26] : memref<256x128xf32, #tpu.memory_space<vmem>> -> memref<64x128xf32, #tpu.memory_space<vmem>>
    %dma_start3A_28 = arith.constant 0 : i32
    %dma_start3A_29 = tpu.memref_slice %arg2[%add3A_24, %dma_start3A_28] : memref<8192x128xf32, #tpu.memory_space<hbm>> -> memref<64x128xf32, #tpu.memory_space<hbm>>
    %dma_start3A_30 = arith.constant 64 : i32
    %dma_start3A_31 = arith.constant 0 : i32
    %dma_start3A_32 = tpu.memref_slice %arg8[%dma_start3A_30, %dma_start3A_31] : memref<256x128xf32, #tpu.memory_space<vmem>> -> memref<64x128xf32, #tpu.memory_space<vmem>>
    %dma_start3A_33 = arith.constant 0 : i32
    %dma_start3A_34 = tpu.memref_slice %arg2[%add3A_24, %dma_start3A_33] : memref<8192x128xf32, #tpu.memory_space<hbm>> -> memref<64x128xf32, #tpu.memory_space<hbm>>
    tpu.enqueue_dma source(%dma_start3A_34 : memref<64x128xf32, #tpu.memory_space<hbm>>) target(%dma_start3A_32 : memref<64x128xf32, #tpu.memory_space<vmem>>) target_semaphore(%arg15 : memref<!tpu.dma_semaphore, #tpu.memory_space<semaphore_mem>>)
    %add3A_35 = arith.constant 128 : i32
    %add3A_36 = arith.addi %mul3A_2, %add3A_35 : i32
    %dma_start3A_37 = arith.constant 128 : i32
    %dma_start3A_38 = arith.constant 0 : i32
    %dma_start3A_39 = tpu.memref_slice %arg8[%dma_start3A_37, %dma_start3A_38] : memref<256x128xf32, #tpu.memory_space<vmem>> -> memref<64x128xf32, #tpu.memory_space<vmem>>
    %dma_start3A_40 = arith.constant 0 : i32
    %dma_start3A_41 = tpu.memref_slice %arg2[%add3A_36, %dma_start3A_40] : memref<8192x128xf32, #tpu.memory_space<hbm>> -> memref<64x128xf32, #tpu.memory_space<hbm>>
    %dma_start3A_42 = arith.constant 128 : i32
    %dma_start3A_43 = arith.constant 0 : i32
    %dma_start3A_44 = tpu.memref_slice %arg8[%dma_start3A_42, %dma_start3A_43] : memref<256x128xf32, #tpu.memory_space<vmem>> -> memref<64x128xf32, #tpu.memory_space<vmem>>
    %dma_start3A_45 = arith.constant 0 : i32
    %dma_start3A_46 = tpu.memref_slice %arg2[%add3A_36, %dma_start3A_45] : memref<8192x128xf32, #tpu.memory_space<hbm>> -> memref<64x128xf32, #tpu.memory_space<hbm>>
    tpu.enqueue_dma source(%dma_start3A_46 : memref<64x128xf32, #tpu.memory_space<hbm>>) target(%dma_start3A_44 : memref<64x128xf32, #tpu.memory_space<vmem>>) target_semaphore(%arg16 : memref<!tpu.dma_semaphore, #tpu.memory_space<semaphore_mem>>)
    %add3A_47 = arith.constant 192 : i32
    %add3A_48 = arith.addi %mul3A_2, %add3A_47 : i32
    %dma_start3A_49 = arith.constant 192 : i32
    %dma_start3A_50 = arith.constant 0 : i32
    %dma_start3A_51 = tpu.memref_slice %arg8[%dma_start3A_49, %dma_start3A_50] : memref<256x128xf32, #tpu.memory_space<vmem>> -> memref<64x128xf32, #tpu.memory_space<vmem>>
    %dma_start3A_52 = arith.constant 0 : i32
    %dma_start3A_53 = tpu.memref_slice %arg2[%add3A_48, %dma_start3A_52] : memref<8192x128xf32, #tpu.memory_space<hbm>> -> memref<64x128xf32, #tpu.memory_space<hbm>>
    %dma_start3A_54 = arith.constant 192 : i32
    %dma_start3A_55 = arith.constant 0 : i32
    %dma_start3A_56 = tpu.memref_slice %arg8[%dma_start3A_54, %dma_start3A_55] : memref<256x128xf32, #tpu.memory_space<vmem>> -> memref<64x128xf32, #tpu.memory_space<vmem>>
    %dma_start3A_57 = arith.constant 0 : i32
    %dma_start3A_58 = tpu.memref_slice %arg2[%add3A_48, %dma_start3A_57] : memref<8192x128xf32, #tpu.memory_space<hbm>> -> memref<64x128xf32, #tpu.memory_space<hbm>>
    tpu.enqueue_dma source(%dma_start3A_58 : memref<64x128xf32, #tpu.memory_space<hbm>>) target(%dma_start3A_56 : memref<64x128xf32, #tpu.memory_space<vmem>>) target_semaphore(%arg17 : memref<!tpu.dma_semaphore, #tpu.memory_space<semaphore_mem>>)
    %iota3A = tpu.iota {dimensions = array<i32: 0>} : vector<16xi32>
    %eq3A_59 = arith.constant 0 : i32
    %eq3A_60 = vector.broadcast %eq3A_59 : i32 to vector<16xi32>
    %eq3A_61 = arith.cmpi eq, %iota3A, %eq3A_60 : vector<16xi32>
    %get3A = arith.constant 16 : index
    %get3A_62 = tpu.vector_load %arg11[%get3A] {strides = array<i32>} : memref<48xf32, #tpu.memory_space<vmem>>, vector<16xf32>,
    %get3A_63 = arith.constant 32 : index
    %get3A_64 = tpu.vector_load %arg11[%get3A_63] {strides = array<i32>} : memref<48xf32, #tpu.memory_space<vmem>>, vector<16xf32>,
    %get3A_65 = arith.constant 8 : index
    %get3A_66 = tpu.vector_load %arg11[%get3A_65] {strides = array<i32>} : memref<48xf32, #tpu.memory_space<vmem>>, vector<16xf32>,
    %jit3A_67 = arith.constant 0.000000e+00 : f32
    %broadcast_in_dim3A = vector.broadcast %jit3A_67 : f32 to vector<16xf32>
    %select_n3A_68 = arith.select %eq3A_61, %get3A_66, %broadcast_in_dim3A : vector<16xi1>, vector<16xf32>
    %reduce_sum3A = arith.constant true
    %reduce_sum3A_69 = vector.broadcast %reduce_sum3A : i1 to vector<16xi1>
    %reduce_sum3A_70 = tpu.scan <sum>, %select_n3A_68 masked %reduce_sum3A_69 : vector<16xf32>, vector<16xi1> -> vector<16xf32>
    %reduce_sum3A_71 = vector.extract %reduce_sum3A_70[15] : f32 from vector<16xf32>
    %scan3A = arith.constant 0 : i32
    %scan3A_72 = arith.constant 0 : i32
    %scan3A_73 = arith.constant 128 : i32
    %scan3A_74 = arith.addi %scan3A_72, %scan3A_73 : i32
    %scan3A_75 = arith.constant 1 : i32
    scf.for %scan3A_250 = %scan3A_72 to %scan3A_74 step %scan3A_75  : i32 {
      %get3A_251 = arith.index_cast %scan3A_250 : i32 to index
      %get3A_252 = arith.constant 0 : index
      %get3A_253 = tpu.vector_load %arg10[%get3A_251, %get3A_252] {strides = array<i32>} : memref<128x32xf32, #tpu.memory_space<vmem>>, vector<16xf32>,
      %mul3A_254 = arith.mulf %get3A_253, %get3A_62 : vector<16xf32>
      %reduce_sum3A_255 = arith.constant true
      %reduce_sum3A_256 = vector.broadcast %reduce_sum3A_255 : i1 to vector<16xi1>
      %reduce_sum3A_257 = tpu.scan <sum>, %mul3A_254 masked %reduce_sum3A_256 : vector<16xf32>, vector<16xi1> -> vector<16xf32>
      %reduce_sum3A_258 = vector.extract %reduce_sum3A_257[15] : f32 from vector<16xf32>
      %get3A_259 = arith.index_cast %scan3A_250 : i32 to index
      %get3A_260 = arith.constant 16 : index
      %get3A_261 = tpu.vector_load %arg10[%get3A_259, %get3A_260] {strides = array<i32>} : memref<128x32xf32, #tpu.memory_space<vmem>>, vector<16xf32>,
      %mul3A_262 = arith.mulf %get3A_261, %get3A_64 : vector<16xf32>
      %reduce_sum3A_263 = arith.constant true
      %reduce_sum3A_264 = vector.broadcast %reduce_sum3A_263 : i1 to vector<16xi1>
      %reduce_sum3A_265 = tpu.scan <sum>, %mul3A_262 masked %reduce_sum3A_264 : vector<16xf32>, vector<16xi1> -> vector<16xf32>
      %reduce_sum3A_266 = vector.extract %reduce_sum3A_265[15] : f32 from vector<16xf32>
      %add3A_267 = arith.addf %reduce_sum3A_258, %reduce_sum3A_266 : f32
      %add3A_268 = arith.addf %add3A_267, %reduce_sum3A_71 : f32
      %broadcast_in_dim3A_269 = vector.broadcast %scan3A_250 : i32 to vector<16xi32>
      %broadcast_in_dim3A_270 = arith.constant 0.000000e+00 : f32
      %broadcast_in_dim3A_271 = vector.broadcast %broadcast_in_dim3A_270 : f32 to vector<16xf32>
      %add3A_272 = vector.broadcast %add3A_268 : f32 to vector<16xf32>
      %add3A_273 = arith.addf %broadcast_in_dim3A_271, %add3A_272 : vector<16xf32>
      tpu.vector_store_idx %arg12[%broadcast_in_dim3A_269], %add3A_273 masked %eq3A_61 : memref<128xf32, #tpu.memory_space<vmem>>[vector<16xi32>], vector<16xf32>, vector<16xi1>
    }
    %scan3A_76 = arith.constant 128 : i32
    %scan3A_77 = arith.constant 0 : i32
    %scan3A_78 = arith.constant 0 : i32
    %scan3A_79 = arith.constant 256 : i32
    %scan3A_80 = arith.addi %scan3A_78, %scan3A_79 : i32
    %scan3A_81 = arith.constant 1 : i32
    scf.for %scan3A_250 = %scan3A_78 to %scan3A_80 step %scan3A_81  : i32 {
      %get3A_251 = arith.index_cast %scan3A_250 : i32 to index
      %get3A_252 = arith.constant 0 : index
      %get3A_253 = tpu.vector_load %arg9[%get3A_251, %get3A_252] {strides = array<i32>} : memref<256x32xf32, #tpu.memory_space<vmem>>, vector<16xf32>,
      %mul3A_254 = arith.mulf %get3A_253, %get3A_62 : vector<16xf32>
      %reduce_sum3A_255 = arith.constant true
      %reduce_sum3A_256 = vector.broadcast %reduce_sum3A_255 : i1 to vector<16xi1>
      %reduce_sum3A_257 = tpu.scan <sum>, %mul3A_254 masked %reduce_sum3A_256 : vector<16xf32>, vector<16xi1> -> vector<16xf32>
      %reduce_sum3A_258 = vector.extract %reduce_sum3A_257[15] : f32 from vector<16xf32>
      %get3A_259 = arith.index_cast %scan3A_250 : i32 to index
      %get3A_260 = arith.constant 16 : index
      %get3A_261 = tpu.vector_load %arg9[%get3A_259, %get3A_260] {strides = array<i32>} : memref<256x32xf32, #tpu.memory_space<vmem>>, vector<16xf32>,
      %mul3A_262 = arith.mulf %get3A_261, %get3A_64 : vector<16xf32>
      %reduce_sum3A_263 = arith.constant true
      %reduce_sum3A_264 = vector.broadcast %reduce_sum3A_263 : i1 to vector<16xi1>
      %reduce_sum3A_265 = tpu.scan <sum>, %mul3A_262 masked %reduce_sum3A_264 : vector<16xf32>, vector<16xi1> -> vector<16xf32>
      %reduce_sum3A_266 = vector.extract %reduce_sum3A_265[15] : f32 from vector<16xf32>
      %add3A_267 = arith.addf %reduce_sum3A_258, %reduce_sum3A_266 : f32
      %broadcast_in_dim3A_268 = vector.broadcast %scan3A_250 : i32 to vector<16xi32>
      %broadcast_in_dim3A_269 = arith.constant 0.000000e+00 : f32
      %broadcast_in_dim3A_270 = vector.broadcast %broadcast_in_dim3A_269 : f32 to vector<16xf32>
      %add3A_271 = vector.broadcast %add3A_267 : f32 to vector<16xf32>
      %add3A_272 = arith.addf %broadcast_in_dim3A_270, %add3A_271 : vector<16xf32>
      tpu.vector_store_idx %arg13[%broadcast_in_dim3A_268], %add3A_272 masked %eq3A_61 : memref<256xf32, #tpu.memory_space<vmem>>[vector<16xi32>], vector<16xf32>, vector<16xi1>
    }
    %scan3A_82 = arith.constant 256 : i32
    %get3A_83 = arith.constant 0 : index
    %get3A_84 = tpu.vector_load %arg12[%get3A_83] {strides = array<i32>} : memref<128xf32, #tpu.memory_space<vmem>>, vector<16xf32>,
    %get3A_85 = arith.constant 16 : index
    %get3A_86 = tpu.vector_load %arg12[%get3A_85] {strides = array<i32>} : memref<128xf32, #tpu.memory_space<vmem>>, vector<16xf32>,
    %get3A_87 = arith.constant 32 : index
    %get3A_88 = tpu.vector_load %arg12[%get3A_87] {strides = array<i32>} : memref<128xf32, #tpu.memory_space<vmem>>, vector<16xf32>,
    %get3A_89 = arith.constant 48 : index
    %get3A_90 = tpu.vector_load %arg12[%get3A_89] {strides = array<i32>} : memref<128xf32, #tpu.memory_space<vmem>>, vector<16xf32>,
    %get3A_91 = arith.constant 64 : index
    %get3A_92 = tpu.vector_load %arg12[%get3A_91] {strides = array<i32>} : memref<128xf32, #tpu.memory_space<vmem>>, vector<16xf32>,
    %get3A_93 = arith.constant 80 : index
    %get3A_94 = tpu.vector_load %arg12[%get3A_93] {strides = array<i32>} : memref<128xf32, #tpu.memory_space<vmem>>, vector<16xf32>,
    %get3A_95 = arith.constant 96 : index
    %get3A_96 = tpu.vector_load %arg12[%get3A_95] {strides = array<i32>} : memref<128xf32, #tpu.memory_space<vmem>>, vector<16xf32>,
    %get3A_97 = arith.constant 112 : index
    %get3A_98 = tpu.vector_load %arg12[%get3A_97] {strides = array<i32>} : memref<128xf32, #tpu.memory_space<vmem>>, vector<16xf32>,
    %dma_wait3A = arith.constant 0 : i32
    %dma_wait3A_99 = arith.constant 0 : i32
    %dma_wait3A_100 = tpu.memref_slice %arg8[%dma_wait3A, %dma_wait3A_99] : memref<256x128xf32, #tpu.memory_space<vmem>> -> memref<64x128xf32, #tpu.memory_space<vmem>>
    %dma_wait3A_101 = arith.constant 0 : i32
    %dma_wait3A_102 = tpu.memref_slice %arg2[%add3A_13, %dma_wait3A_101] : memref<8192x128xf32, #tpu.memory_space<hbm>> -> memref<64x128xf32, #tpu.memory_space<hbm>>
    %dma_wait3A_103 = arith.constant 0 : i32
    %dma_wait3A_104 = arith.constant 0 : i32
    %dma_wait3A_105 = tpu.memref_slice %arg8[%dma_wait3A_103, %dma_wait3A_104] : memref<256x128xf32, #tpu.memory_space<vmem>> -> memref<64x128xf32, #tpu.memory_space<vmem>>
    %dma_wait3A_106 = arith.constant 0 : i32
    %dma_wait3A_107 = tpu.memref_slice %arg2[%add3A_13, %dma_wait3A_106] : memref<8192x128xf32, #tpu.memory_space<hbm>> -> memref<64x128xf32, #tpu.memory_space<hbm>>
    tpu.wait_dma2 semaphore(%arg14 : memref<!tpu.dma_semaphore, #tpu.memory_space<semaphore_mem>>) src(%dma_wait3A_107 : memref<64x128xf32, #tpu.memory_space<hbm>>) dst(%dma_wait3A_105 : memref<64x128xf32, #tpu.memory_space<vmem>>)
    %scan3A_108 = arith.constant 0 : i32
    %scan3A_109 = arith.constant 0 : i32
    %scan3A_110 = arith.constant 64 : i32
    %scan3A_111 = arith.addi %scan3A_109, %scan3A_110 : i32
    %scan3A_112 = arith.constant 1 : i32
    scf.for %scan3A_250 = %scan3A_109 to %scan3A_111 step %scan3A_112  : i32 {
      %add3A_251 = arith.constant 0 : i32
      %add3A_252 = arith.addi %add3A_251, %scan3A_250 : i32
      %broadcast_in_dim3A_253 = vector.broadcast %add3A_252 : i32 to vector<16xi32>
      %gather3A = tpu.vector_load_idx %arg13[%broadcast_in_dim3A_253] : memref<256xf32, #tpu.memory_space<vmem>>[vector<16xi32>], vector<16xf32>,
      %get3A_254 = arith.index_cast %add3A_252 : i32 to index
      %get3A_255 = arith.constant 0 : index
      %get3A_256 = tpu.vector_load %arg8[%get3A_254, %get3A_255] {strides = array<i32>} : memref<256x128xf32, #tpu.memory_space<vmem>>, vector<16xf32>,
      %add3A_257 = arith.addf %get3A_84, %gather3A : vector<16xf32>
      %add3A_258 = arith.addf %get3A_256, %add3A_257 : vector<16xf32>
      %swap3A = arith.index_cast %add3A_252 : i32 to index
      %swap3A_259 = arith.constant 0 : index
      %swap3A_260 = tpu.vector_load %arg8[%swap3A, %swap3A_259] {strides = array<i32>} : memref<256x128xf32, #tpu.memory_space<vmem>>, vector<16xf32>,
      tpu.vector_store %arg8[%swap3A, %swap3A_259], %add3A_258 {strides = array<i32>} : memref<256x128xf32, #tpu.memory_space<vmem>>, vector<16xf32>,
      %get3A_261 = arith.index_cast %add3A_252 : i32 to index
      %get3A_262 = arith.constant 16 : index
      %get3A_263 = tpu.vector_load %arg8[%get3A_261, %get3A_262] {strides = array<i32>} : memref<256x128xf32, #tpu.memory_space<vmem>>, vector<16xf32>,
      %add3A_264 = arith.addf %get3A_86, %gather3A : vector<16xf32>
      %add3A_265 = arith.addf %get3A_263, %add3A_264 : vector<16xf32>
      %swap3A_266 = arith.index_cast %add3A_252 : i32 to index
      %swap3A_267 = arith.constant 16 : index
      %swap3A_268 = tpu.vector_load %arg8[%swap3A_266, %swap3A_267] {strides = array<i32>} : memref<256x128xf32, #tpu.memory_space<vmem>>, vector<16xf32>,
      tpu.vector_store %arg8[%swap3A_266, %swap3A_267], %add3A_265 {strides = array<i32>} : memref<256x128xf32, #tpu.memory_space<vmem>>, vector<16xf32>,
      %get3A_269 = arith.index_cast %add3A_252 : i32 to index
      %get3A_270 = arith.constant 32 : index
      %get3A_271 = tpu.vector_load %arg8[%get3A_269, %get3A_270] {strides = array<i32>} : memref<256x128xf32, #tpu.memory_space<vmem>>, vector<16xf32>,
      %add3A_272 = arith.addf %get3A_88, %gather3A : vector<16xf32>
      %add3A_273 = arith.addf %get3A_271, %add3A_272 : vector<16xf32>
      %swap3A_274 = arith.index_cast %add3A_252 : i32 to index
      %swap3A_275 = arith.constant 32 : index
      %swap3A_276 = tpu.vector_load %arg8[%swap3A_274, %swap3A_275] {strides = array<i32>} : memref<256x128xf32, #tpu.memory_space<vmem>>, vector<16xf32>,
      tpu.vector_store %arg8[%swap3A_274, %swap3A_275], %add3A_273 {strides = array<i32>} : memref<256x128xf32, #tpu.memory_space<vmem>>, vector<16xf32>,
      %get3A_277 = arith.index_cast %add3A_252 : i32 to index
      %get3A_278 = arith.constant 48 : index
      %get3A_279 = tpu.vector_load %arg8[%get3A_277, %get3A_278] {strides = array<i32>} : memref<256x128xf32, #tpu.memory_space<vmem>>, vector<16xf32>,
      %add3A_280 = arith.addf %get3A_90, %gather3A : vector<16xf32>
      %add3A_281 = arith.addf %get3A_279, %add3A_280 : vector<16xf32>
      %swap3A_282 = arith.index_cast %add3A_252 : i32 to index
      %swap3A_283 = arith.constant 48 : index
      %swap3A_284 = tpu.vector_load %arg8[%swap3A_282, %swap3A_283] {strides = array<i32>} : memref<256x128xf32, #tpu.memory_space<vmem>>, vector<16xf32>,
      tpu.vector_store %arg8[%swap3A_282, %swap3A_283], %add3A_281 {strides = array<i32>} : memref<256x128xf32, #tpu.memory_space<vmem>>, vector<16xf32>,
      %get3A_285 = arith.index_cast %add3A_252 : i32 to index
      %get3A_286 = arith.constant 64 : index
      %get3A_287 = tpu.vector_load %arg8[%get3A_285, %get3A_286] {strides = array<i32>} : memref<256x128xf32, #tpu.memory_space<vmem>>, vector<16xf32>,
      %add3A_288 = arith.addf %get3A_92, %gather3A : vector<16xf32>
      %add3A_289 = arith.addf %get3A_287, %add3A_288 : vector<16xf32>
      %swap3A_290 = arith.index_cast %add3A_252 : i32 to index
      %swap3A_291 = arith.constant 64 : index
      %swap3A_292 = tpu.vector_load %arg8[%swap3A_290, %swap3A_291] {strides = array<i32>} : memref<256x128xf32, #tpu.memory_space<vmem>>, vector<16xf32>,
      tpu.vector_store %arg8[%swap3A_290, %swap3A_291], %add3A_289 {strides = array<i32>} : memref<256x128xf32, #tpu.memory_space<vmem>>, vector<16xf32>,
      %get3A_293 = arith.index_cast %add3A_252 : i32 to index
      %get3A_294 = arith.constant 80 : index
      %get3A_295 = tpu.vector_load %arg8[%get3A_293, %get3A_294] {strides = array<i32>} : memref<256x128xf32, #tpu.memory_space<vmem>>, vector<16xf32>,
      %add3A_296 = arith.addf %get3A_94, %gather3A : vector<16xf32>
      %add3A_297 = arith.addf %get3A_295, %add3A_296 : vector<16xf32>
      %swap3A_298 = arith.index_cast %add3A_252 : i32 to index
      %swap3A_299 = arith.constant 80 : index
      %swap3A_300 = tpu.vector_load %arg8[%swap3A_298, %swap3A_299] {strides = array<i32>} : memref<256x128xf32, #tpu.memory_space<vmem>>, vector<16xf32>,
      tpu.vector_store %arg8[%swap3A_298, %swap3A_299], %add3A_297 {strides = array<i32>} : memref<256x128xf32, #tpu.memory_space<vmem>>, vector<16xf32>,
      %get3A_301 = arith.index_cast %add3A_252 : i32 to index
      %get3A_302 = arith.constant 96 : index
      %get3A_303 = tpu.vector_load %arg8[%get3A_301, %get3A_302] {strides = array<i32>} : memref<256x128xf32, #tpu.memory_space<vmem>>, vector<16xf32>,
      %add3A_304 = arith.addf %get3A_96, %gather3A : vector<16xf32>
      %add3A_305 = arith.addf %get3A_303, %add3A_304 : vector<16xf32>
      %swap3A_306 = arith.index_cast %add3A_252 : i32 to index
      %swap3A_307 = arith.constant 96 : index
      %swap3A_308 = tpu.vector_load %arg8[%swap3A_306, %swap3A_307] {strides = array<i32>} : memref<256x128xf32, #tpu.memory_space<vmem>>, vector<16xf32>,
      tpu.vector_store %arg8[%swap3A_306, %swap3A_307], %add3A_305 {strides = array<i32>} : memref<256x128xf32, #tpu.memory_space<vmem>>, vector<16xf32>,
      %get3A_309 = arith.index_cast %add3A_252 : i32 to index
      %get3A_310 = arith.constant 112 : index
      %get3A_311 = tpu.vector_load %arg8[%get3A_309, %get3A_310] {strides = array<i32>} : memref<256x128xf32, #tpu.memory_space<vmem>>, vector<16xf32>,
      %add3A_312 = arith.addf %get3A_98, %gather3A : vector<16xf32>
      %add3A_313 = arith.addf %get3A_311, %add3A_312 : vector<16xf32>
      %swap3A_314 = arith.index_cast %add3A_252 : i32 to index
      %swap3A_315 = arith.constant 112 : index
      %swap3A_316 = tpu.vector_load %arg8[%swap3A_314, %swap3A_315] {strides = array<i32>} : memref<256x128xf32, #tpu.memory_space<vmem>>, vector<16xf32>,
      tpu.vector_store %arg8[%swap3A_314, %swap3A_315], %add3A_313 {strides = array<i32>} : memref<256x128xf32, #tpu.memory_space<vmem>>, vector<16xf32>,
    }
    %scan3A_113 = arith.constant 64 : i32
    %add3A_114 = arith.constant 0 : i32
    %add3A_115 = arith.addi %mul3A_2, %add3A_114 : i32
    %dma_start3A_116 = arith.constant 0 : i32
    %dma_start3A_117 = arith.constant 0 : i32
    %dma_start3A_118 = tpu.memref_slice %arg8[%dma_start3A_116, %dma_start3A_117] : memref<256x128xf32, #tpu.memory_space<vmem>> -> memref<64x128xf32, #tpu.memory_space<vmem>>
    %dma_start3A_119 = arith.constant 0 : i32
    %dma_start3A_120 = tpu.memref_slice %arg7[%add3A_115, %dma_start3A_119] : memref<8192x128xf32, #tpu.memory_space<hbm>> -> memref<64x128xf32, #tpu.memory_space<hbm>>
    %dma_start3A_121 = arith.constant 0 : i32
    %dma_start3A_122 = tpu.memref_slice %arg7[%add3A_115, %dma_start3A_121] : memref<8192x128xf32, #tpu.memory_space<hbm>> -> memref<64x128xf32, #tpu.memory_space<hbm>>
    %dma_start3A_123 = arith.constant 0 : i32
    %dma_start3A_124 = arith.constant 0 : i32
    %dma_start3A_125 = tpu.memref_slice %arg8[%dma_start3A_123, %dma_start3A_124] : memref<256x128xf32, #tpu.memory_space<vmem>> -> memref<64x128xf32, #tpu.memory_space<vmem>>
    tpu.enqueue_dma source(%dma_start3A_125 : memref<64x128xf32, #tpu.memory_space<vmem>>) target(%dma_start3A_122 : memref<64x128xf32, #tpu.memory_space<hbm>>) target_semaphore(%arg18 : memref<!tpu.dma_semaphore, #tpu.memory_space<semaphore_mem>>)
    %dma_wait3A_126 = arith.constant 64 : i32
    %dma_wait3A_127 = arith.constant 0 : i32
    %dma_wait3A_128 = tpu.memref_slice %arg8[%dma_wait3A_126, %dma_wait3A_127] : memref<256x128xf32, #tpu.memory_space<vmem>> -> memref<64x128xf32, #tpu.memory_space<vmem>>
    %dma_wait3A_129 = arith.constant 0 : i32
    %dma_wait3A_130 = tpu.memref_slice %arg2[%add3A_24, %dma_wait3A_129] : memref<8192x128xf32, #tpu.memory_space<hbm>> -> memref<64x128xf32, #tpu.memory_space<hbm>>
    %dma_wait3A_131 = arith.constant 64 : i32
    %dma_wait3A_132 = arith.constant 0 : i32
    %dma_wait3A_133 = tpu.memref_slice %arg8[%dma_wait3A_131, %dma_wait3A_132] : memref<256x128xf32, #tpu.memory_space<vmem>> -> memref<64x128xf32, #tpu.memory_space<vmem>>
    %dma_wait3A_134 = arith.constant 0 : i32
    %dma_wait3A_135 = tpu.memref_slice %arg2[%add3A_24, %dma_wait3A_134] : memref<8192x128xf32, #tpu.memory_space<hbm>> -> memref<64x128xf32, #tpu.memory_space<hbm>>
    tpu.wait_dma2 semaphore(%arg15 : memref<!tpu.dma_semaphore, #tpu.memory_space<semaphore_mem>>) src(%dma_wait3A_135 : memref<64x128xf32, #tpu.memory_space<hbm>>) dst(%dma_wait3A_133 : memref<64x128xf32, #tpu.memory_space<vmem>>)
    %scan3A_136 = arith.constant 0 : i32
    %scan3A_137 = arith.constant 0 : i32
    %scan3A_138 = arith.constant 64 : i32
    %scan3A_139 = arith.addi %scan3A_137, %scan3A_138 : i32
    %scan3A_140 = arith.constant 1 : i32
    scf.for %scan3A_250 = %scan3A_137 to %scan3A_139 step %scan3A_140  : i32 {
      %add3A_251 = arith.constant 64 : i32
      %add3A_252 = arith.addi %add3A_251, %scan3A_250 : i32
      %broadcast_in_dim3A_253 = vector.broadcast %add3A_252 : i32 to vector<16xi32>
      %gather3A = tpu.vector_load_idx %arg13[%broadcast_in_dim3A_253] : memref<256xf32, #tpu.memory_space<vmem>>[vector<16xi32>], vector<16xf32>,
      %get3A_254 = arith.index_cast %add3A_252 : i32 to index
      %get3A_255 = arith.constant 0 : index
      %get3A_256 = tpu.vector_load %arg8[%get3A_254, %get3A_255] {strides = array<i32>} : memref<256x128xf32, #tpu.memory_space<vmem>>, vector<16xf32>,
      %add3A_257 = arith.addf %get3A_84, %gather3A : vector<16xf32>
      %add3A_258 = arith.addf %get3A_256, %add3A_257 : vector<16xf32>
      %swap3A = arith.index_cast %add3A_252 : i32 to index
      %swap3A_259 = arith.constant 0 : index
      %swap3A_260 = tpu.vector_load %arg8[%swap3A, %swap3A_259] {strides = array<i32>} : memref<256x128xf32, #tpu.memory_space<vmem>>, vector<16xf32>,
      tpu.vector_store %arg8[%swap3A, %swap3A_259], %add3A_258 {strides = array<i32>} : memref<256x128xf32, #tpu.memory_space<vmem>>, vector<16xf32>,
      %get3A_261 = arith.index_cast %add3A_252 : i32 to index
      %get3A_262 = arith.constant 16 : index
      %get3A_263 = tpu.vector_load %arg8[%get3A_261, %get3A_262] {strides = array<i32>} : memref<256x128xf32, #tpu.memory_space<vmem>>, vector<16xf32>,
      %add3A_264 = arith.addf %get3A_86, %gather3A : vector<16xf32>
      %add3A_265 = arith.addf %get3A_263, %add3A_264 : vector<16xf32>
      %swap3A_266 = arith.index_cast %add3A_252 : i32 to index
      %swap3A_267 = arith.constant 16 : index
      %swap3A_268 = tpu.vector_load %arg8[%swap3A_266, %swap3A_267] {strides = array<i32>} : memref<256x128xf32, #tpu.memory_space<vmem>>, vector<16xf32>,
      tpu.vector_store %arg8[%swap3A_266, %swap3A_267], %add3A_265 {strides = array<i32>} : memref<256x128xf32, #tpu.memory_space<vmem>>, vector<16xf32>,
      %get3A_269 = arith.index_cast %add3A_252 : i32 to index
      %get3A_270 = arith.constant 32 : index
      %get3A_271 = tpu.vector_load %arg8[%get3A_269, %get3A_270] {strides = array<i32>} : memref<256x128xf32, #tpu.memory_space<vmem>>, vector<16xf32>,
      %add3A_272 = arith.addf %get3A_88, %gather3A : vector<16xf32>
      %add3A_273 = arith.addf %get3A_271, %add3A_272 : vector<16xf32>
      %swap3A_274 = arith.index_cast %add3A_252 : i32 to index
      %swap3A_275 = arith.constant 32 : index
      %swap3A_276 = tpu.vector_load %arg8[%swap3A_274, %swap3A_275] {strides = array<i32>} : memref<256x128xf32, #tpu.memory_space<vmem>>, vector<16xf32>,
      tpu.vector_store %arg8[%swap3A_274, %swap3A_275], %add3A_273 {strides = array<i32>} : memref<256x128xf32, #tpu.memory_space<vmem>>, vector<16xf32>,
      %get3A_277 = arith.index_cast %add3A_252 : i32 to index
      %get3A_278 = arith.constant 48 : index
      %get3A_279 = tpu.vector_load %arg8[%get3A_277, %get3A_278] {strides = array<i32>} : memref<256x128xf32, #tpu.memory_space<vmem>>, vector<16xf32>,
      %add3A_280 = arith.addf %get3A_90, %gather3A : vector<16xf32>
      %add3A_281 = arith.addf %get3A_279, %add3A_280 : vector<16xf32>
      %swap3A_282 = arith.index_cast %add3A_252 : i32 to index
      %swap3A_283 = arith.constant 48 : index
      %swap3A_284 = tpu.vector_load %arg8[%swap3A_282, %swap3A_283] {strides = array<i32>} : memref<256x128xf32, #tpu.memory_space<vmem>>, vector<16xf32>,
      tpu.vector_store %arg8[%swap3A_282, %swap3A_283], %add3A_281 {strides = array<i32>} : memref<256x128xf32, #tpu.memory_space<vmem>>, vector<16xf32>,
      %get3A_285 = arith.index_cast %add3A_252 : i32 to index
      %get3A_286 = arith.constant 64 : index
      %get3A_287 = tpu.vector_load %arg8[%get3A_285, %get3A_286] {strides = array<i32>} : memref<256x128xf32, #tpu.memory_space<vmem>>, vector<16xf32>,
      %add3A_288 = arith.addf %get3A_92, %gather3A : vector<16xf32>
      %add3A_289 = arith.addf %get3A_287, %add3A_288 : vector<16xf32>
      %swap3A_290 = arith.index_cast %add3A_252 : i32 to index
      %swap3A_291 = arith.constant 64 : index
      %swap3A_292 = tpu.vector_load %arg8[%swap3A_290, %swap3A_291] {strides = array<i32>} : memref<256x128xf32, #tpu.memory_space<vmem>>, vector<16xf32>,
      tpu.vector_store %arg8[%swap3A_290, %swap3A_291], %add3A_289 {strides = array<i32>} : memref<256x128xf32, #tpu.memory_space<vmem>>, vector<16xf32>,
      %get3A_293 = arith.index_cast %add3A_252 : i32 to index
      %get3A_294 = arith.constant 80 : index
      %get3A_295 = tpu.vector_load %arg8[%get3A_293, %get3A_294] {strides = array<i32>} : memref<256x128xf32, #tpu.memory_space<vmem>>, vector<16xf32>,
      %add3A_296 = arith.addf %get3A_94, %gather3A : vector<16xf32>
      %add3A_297 = arith.addf %get3A_295, %add3A_296 : vector<16xf32>
      %swap3A_298 = arith.index_cast %add3A_252 : i32 to index
      %swap3A_299 = arith.constant 80 : index
      %swap3A_300 = tpu.vector_load %arg8[%swap3A_298, %swap3A_299] {strides = array<i32>} : memref<256x128xf32, #tpu.memory_space<vmem>>, vector<16xf32>,
      tpu.vector_store %arg8[%swap3A_298, %swap3A_299], %add3A_297 {strides = array<i32>} : memref<256x128xf32, #tpu.memory_space<vmem>>, vector<16xf32>,
      %get3A_301 = arith.index_cast %add3A_252 : i32 to index
      %get3A_302 = arith.constant 96 : index
      %get3A_303 = tpu.vector_load %arg8[%get3A_301, %get3A_302] {strides = array<i32>} : memref<256x128xf32, #tpu.memory_space<vmem>>, vector<16xf32>,
      %add3A_304 = arith.addf %get3A_96, %gather3A : vector<16xf32>
      %add3A_305 = arith.addf %get3A_303, %add3A_304 : vector<16xf32>
      %swap3A_306 = arith.index_cast %add3A_252 : i32 to index
      %swap3A_307 = arith.constant 96 : index
      %swap3A_308 = tpu.vector_load %arg8[%swap3A_306, %swap3A_307] {strides = array<i32>} : memref<256x128xf32, #tpu.memory_space<vmem>>, vector<16xf32>,
      tpu.vector_store %arg8[%swap3A_306, %swap3A_307], %add3A_305 {strides = array<i32>} : memref<256x128xf32, #tpu.memory_space<vmem>>, vector<16xf32>,
      %get3A_309 = arith.index_cast %add3A_252 : i32 to index
      %get3A_310 = arith.constant 112 : index
      %get3A_311 = tpu.vector_load %arg8[%get3A_309, %get3A_310] {strides = array<i32>} : memref<256x128xf32, #tpu.memory_space<vmem>>, vector<16xf32>,
      %add3A_312 = arith.addf %get3A_98, %gather3A : vector<16xf32>
      %add3A_313 = arith.addf %get3A_311, %add3A_312 : vector<16xf32>
      %swap3A_314 = arith.index_cast %add3A_252 : i32 to index
      %swap3A_315 = arith.constant 112 : index
      %swap3A_316 = tpu.vector_load %arg8[%swap3A_314, %swap3A_315] {strides = array<i32>} : memref<256x128xf32, #tpu.memory_space<vmem>>, vector<16xf32>,
      tpu.vector_store %arg8[%swap3A_314, %swap3A_315], %add3A_313 {strides = array<i32>} : memref<256x128xf32, #tpu.memory_space<vmem>>, vector<16xf32>,
    }
    %scan3A_141 = arith.constant 64 : i32
    %add3A_142 = arith.constant 64 : i32
    %add3A_143 = arith.addi %mul3A_2, %add3A_142 : i32
    %dma_start3A_144 = arith.constant 64 : i32
    %dma_start3A_145 = arith.constant 0 : i32
    %dma_start3A_146 = tpu.memref_slice %arg8[%dma_start3A_144, %dma_start3A_145] : memref<256x128xf32, #tpu.memory_space<vmem>> -> memref<64x128xf32, #tpu.memory_space<vmem>>
    %dma_start3A_147 = arith.constant 0 : i32
    %dma_start3A_148 = tpu.memref_slice %arg7[%add3A_143, %dma_start3A_147] : memref<8192x128xf32, #tpu.memory_space<hbm>> -> memref<64x128xf32, #tpu.memory_space<hbm>>
    %dma_start3A_149 = arith.constant 0 : i32
    %dma_start3A_150 = tpu.memref_slice %arg7[%add3A_143, %dma_start3A_149] : memref<8192x128xf32, #tpu.memory_space<hbm>> -> memref<64x128xf32, #tpu.memory_space<hbm>>
    %dma_start3A_151 = arith.constant 64 : i32
    %dma_start3A_152 = arith.constant 0 : i32
    %dma_start3A_153 = tpu.memref_slice %arg8[%dma_start3A_151, %dma_start3A_152] : memref<256x128xf32, #tpu.memory_space<vmem>> -> memref<64x128xf32, #tpu.memory_space<vmem>>
    tpu.enqueue_dma source(%dma_start3A_153 : memref<64x128xf32, #tpu.memory_space<vmem>>) target(%dma_start3A_150 : memref<64x128xf32, #tpu.memory_space<hbm>>) target_semaphore(%arg19 : memref<!tpu.dma_semaphore, #tpu.memory_space<semaphore_mem>>)
    %dma_wait3A_154 = arith.constant 128 : i32
    %dma_wait3A_155 = arith.constant 0 : i32
    %dma_wait3A_156 = tpu.memref_slice %arg8[%dma_wait3A_154, %dma_wait3A_155] : memref<256x128xf32, #tpu.memory_space<vmem>> -> memref<64x128xf32, #tpu.memory_space<vmem>>
    %dma_wait3A_157 = arith.constant 0 : i32
    %dma_wait3A_158 = tpu.memref_slice %arg2[%add3A_36, %dma_wait3A_157] : memref<8192x128xf32, #tpu.memory_space<hbm>> -> memref<64x128xf32, #tpu.memory_space<hbm>>
    %dma_wait3A_159 = arith.constant 128 : i32
    %dma_wait3A_160 = arith.constant 0 : i32
    %dma_wait3A_161 = tpu.memref_slice %arg8[%dma_wait3A_159, %dma_wait3A_160] : memref<256x128xf32, #tpu.memory_space<vmem>> -> memref<64x128xf32, #tpu.memory_space<vmem>>
    %dma_wait3A_162 = arith.constant 0 : i32
    %dma_wait3A_163 = tpu.memref_slice %arg2[%add3A_36, %dma_wait3A_162] : memref<8192x128xf32, #tpu.memory_space<hbm>> -> memref<64x128xf32, #tpu.memory_space<hbm>>
    tpu.wait_dma2 semaphore(%arg16 : memref<!tpu.dma_semaphore, #tpu.memory_space<semaphore_mem>>) src(%dma_wait3A_163 : memref<64x128xf32, #tpu.memory_space<hbm>>) dst(%dma_wait3A_161 : memref<64x128xf32, #tpu.memory_space<vmem>>)
    %scan3A_164 = arith.constant 0 : i32
    %scan3A_165 = arith.constant 0 : i32
    %scan3A_166 = arith.constant 64 : i32
    %scan3A_167 = arith.addi %scan3A_165, %scan3A_166 : i32
    %scan3A_168 = arith.constant 1 : i32
    scf.for %scan3A_250 = %scan3A_165 to %scan3A_167 step %scan3A_168  : i32 {
      %add3A_251 = arith.constant 128 : i32
      %add3A_252 = arith.addi %add3A_251, %scan3A_250 : i32
      %broadcast_in_dim3A_253 = vector.broadcast %add3A_252 : i32 to vector<16xi32>
      %gather3A = tpu.vector_load_idx %arg13[%broadcast_in_dim3A_253] : memref<256xf32, #tpu.memory_space<vmem>>[vector<16xi32>], vector<16xf32>,
      %get3A_254 = arith.index_cast %add3A_252 : i32 to index
      %get3A_255 = arith.constant 0 : index
      %get3A_256 = tpu.vector_load %arg8[%get3A_254, %get3A_255] {strides = array<i32>} : memref<256x128xf32, #tpu.memory_space<vmem>>, vector<16xf32>,
      %add3A_257 = arith.addf %get3A_84, %gather3A : vector<16xf32>
      %add3A_258 = arith.addf %get3A_256, %add3A_257 : vector<16xf32>
      %swap3A = arith.index_cast %add3A_252 : i32 to index
      %swap3A_259 = arith.constant 0 : index
      %swap3A_260 = tpu.vector_load %arg8[%swap3A, %swap3A_259] {strides = array<i32>} : memref<256x128xf32, #tpu.memory_space<vmem>>, vector<16xf32>,
      tpu.vector_store %arg8[%swap3A, %swap3A_259], %add3A_258 {strides = array<i32>} : memref<256x128xf32, #tpu.memory_space<vmem>>, vector<16xf32>,
      %get3A_261 = arith.index_cast %add3A_252 : i32 to index
      %get3A_262 = arith.constant 16 : index
      %get3A_263 = tpu.vector_load %arg8[%get3A_261, %get3A_262] {strides = array<i32>} : memref<256x128xf32, #tpu.memory_space<vmem>>, vector<16xf32>,
      %add3A_264 = arith.addf %get3A_86, %gather3A : vector<16xf32>
      %add3A_265 = arith.addf %get3A_263, %add3A_264 : vector<16xf32>
      %swap3A_266 = arith.index_cast %add3A_252 : i32 to index
      %swap3A_267 = arith.constant 16 : index
      %swap3A_268 = tpu.vector_load %arg8[%swap3A_266, %swap3A_267] {strides = array<i32>} : memref<256x128xf32, #tpu.memory_space<vmem>>, vector<16xf32>,
      tpu.vector_store %arg8[%swap3A_266, %swap3A_267], %add3A_265 {strides = array<i32>} : memref<256x128xf32, #tpu.memory_space<vmem>>, vector<16xf32>,
      %get3A_269 = arith.index_cast %add3A_252 : i32 to index
      %get3A_270 = arith.constant 32 : index
      %get3A_271 = tpu.vector_load %arg8[%get3A_269, %get3A_270] {strides = array<i32>} : memref<256x128xf32, #tpu.memory_space<vmem>>, vector<16xf32>,
      %add3A_272 = arith.addf %get3A_88, %gather3A : vector<16xf32>
      %add3A_273 = arith.addf %get3A_271, %add3A_272 : vector<16xf32>
      %swap3A_274 = arith.index_cast %add3A_252 : i32 to index
      %swap3A_275 = arith.constant 32 : index
      %swap3A_276 = tpu.vector_load %arg8[%swap3A_274, %swap3A_275] {strides = array<i32>} : memref<256x128xf32, #tpu.memory_space<vmem>>, vector<16xf32>,
      tpu.vector_store %arg8[%swap3A_274, %swap3A_275], %add3A_273 {strides = array<i32>} : memref<256x128xf32, #tpu.memory_space<vmem>>, vector<16xf32>,
      %get3A_277 = arith.index_cast %add3A_252 : i32 to index
      %get3A_278 = arith.constant 48 : index
      %get3A_279 = tpu.vector_load %arg8[%get3A_277, %get3A_278] {strides = array<i32>} : memref<256x128xf32, #tpu.memory_space<vmem>>, vector<16xf32>,
      %add3A_280 = arith.addf %get3A_90, %gather3A : vector<16xf32>
      %add3A_281 = arith.addf %get3A_279, %add3A_280 : vector<16xf32>
      %swap3A_282 = arith.index_cast %add3A_252 : i32 to index
      %swap3A_283 = arith.constant 48 : index
      %swap3A_284 = tpu.vector_load %arg8[%swap3A_282, %swap3A_283] {strides = array<i32>} : memref<256x128xf32, #tpu.memory_space<vmem>>, vector<16xf32>,
      tpu.vector_store %arg8[%swap3A_282, %swap3A_283], %add3A_281 {strides = array<i32>} : memref<256x128xf32, #tpu.memory_space<vmem>>, vector<16xf32>,
      %get3A_285 = arith.index_cast %add3A_252 : i32 to index
      %get3A_286 = arith.constant 64 : index
      %get3A_287 = tpu.vector_load %arg8[%get3A_285, %get3A_286] {strides = array<i32>} : memref<256x128xf32, #tpu.memory_space<vmem>>, vector<16xf32>,
      %add3A_288 = arith.addf %get3A_92, %gather3A : vector<16xf32>
      %add3A_289 = arith.addf %get3A_287, %add3A_288 : vector<16xf32>
      %swap3A_290 = arith.index_cast %add3A_252 : i32 to index
      %swap3A_291 = arith.constant 64 : index
      %swap3A_292 = tpu.vector_load %arg8[%swap3A_290, %swap3A_291] {strides = array<i32>} : memref<256x128xf32, #tpu.memory_space<vmem>>, vector<16xf32>,
      tpu.vector_store %arg8[%swap3A_290, %swap3A_291], %add3A_289 {strides = array<i32>} : memref<256x128xf32, #tpu.memory_space<vmem>>, vector<16xf32>,
      %get3A_293 = arith.index_cast %add3A_252 : i32 to index
      %get3A_294 = arith.constant 80 : index
      %get3A_295 = tpu.vector_load %arg8[%get3A_293, %get3A_294] {strides = array<i32>} : memref<256x128xf32, #tpu.memory_space<vmem>>, vector<16xf32>,
      %add3A_296 = arith.addf %get3A_94, %gather3A : vector<16xf32>
      %add3A_297 = arith.addf %get3A_295, %add3A_296 : vector<16xf32>
      %swap3A_298 = arith.index_cast %add3A_252 : i32 to index
      %swap3A_299 = arith.constant 80 : index
      %swap3A_300 = tpu.vector_load %arg8[%swap3A_298, %swap3A_299] {strides = array<i32>} : memref<256x128xf32, #tpu.memory_space<vmem>>, vector<16xf32>,
      tpu.vector_store %arg8[%swap3A_298, %swap3A_299], %add3A_297 {strides = array<i32>} : memref<256x128xf32, #tpu.memory_space<vmem>>, vector<16xf32>,
      %get3A_301 = arith.index_cast %add3A_252 : i32 to index
      %get3A_302 = arith.constant 96 : index
      %get3A_303 = tpu.vector_load %arg8[%get3A_301, %get3A_302] {strides = array<i32>} : memref<256x128xf32, #tpu.memory_space<vmem>>, vector<16xf32>,
      %add3A_304 = arith.addf %get3A_96, %gather3A : vector<16xf32>
      %add3A_305 = arith.addf %get3A_303, %add3A_304 : vector<16xf32>
      %swap3A_306 = arith.index_cast %add3A_252 : i32 to index
      %swap3A_307 = arith.constant 96 : index
      %swap3A_308 = tpu.vector_load %arg8[%swap3A_306, %swap3A_307] {strides = array<i32>} : memref<256x128xf32, #tpu.memory_space<vmem>>, vector<16xf32>,
      tpu.vector_store %arg8[%swap3A_306, %swap3A_307], %add3A_305 {strides = array<i32>} : memref<256x128xf32, #tpu.memory_space<vmem>>, vector<16xf32>,
      %get3A_309 = arith.index_cast %add3A_252 : i32 to index
      %get3A_310 = arith.constant 112 : index
      %get3A_311 = tpu.vector_load %arg8[%get3A_309, %get3A_310] {strides = array<i32>} : memref<256x128xf32, #tpu.memory_space<vmem>>, vector<16xf32>,
      %add3A_312 = arith.addf %get3A_98, %gather3A : vector<16xf32>
      %add3A_313 = arith.addf %get3A_311, %add3A_312 : vector<16xf32>
      %swap3A_314 = arith.index_cast %add3A_252 : i32 to index
      %swap3A_315 = arith.constant 112 : index
      %swap3A_316 = tpu.vector_load %arg8[%swap3A_314, %swap3A_315] {strides = array<i32>} : memref<256x128xf32, #tpu.memory_space<vmem>>, vector<16xf32>,
      tpu.vector_store %arg8[%swap3A_314, %swap3A_315], %add3A_313 {strides = array<i32>} : memref<256x128xf32, #tpu.memory_space<vmem>>, vector<16xf32>,
    }
    %scan3A_169 = arith.constant 64 : i32
    %add3A_170 = arith.constant 128 : i32
    %add3A_171 = arith.addi %mul3A_2, %add3A_170 : i32
    %dma_start3A_172 = arith.constant 128 : i32
    %dma_start3A_173 = arith.constant 0 : i32
    %dma_start3A_174 = tpu.memref_slice %arg8[%dma_start3A_172, %dma_start3A_173] : memref<256x128xf32, #tpu.memory_space<vmem>> -> memref<64x128xf32, #tpu.memory_space<vmem>>
    %dma_start3A_175 = arith.constant 0 : i32
    %dma_start3A_176 = tpu.memref_slice %arg7[%add3A_171, %dma_start3A_175] : memref<8192x128xf32, #tpu.memory_space<hbm>> -> memref<64x128xf32, #tpu.memory_space<hbm>>
    %dma_start3A_177 = arith.constant 0 : i32
    %dma_start3A_178 = tpu.memref_slice %arg7[%add3A_171, %dma_start3A_177] : memref<8192x128xf32, #tpu.memory_space<hbm>> -> memref<64x128xf32, #tpu.memory_space<hbm>>
    %dma_start3A_179 = arith.constant 128 : i32
    %dma_start3A_180 = arith.constant 0 : i32
    %dma_start3A_181 = tpu.memref_slice %arg8[%dma_start3A_179, %dma_start3A_180] : memref<256x128xf32, #tpu.memory_space<vmem>> -> memref<64x128xf32, #tpu.memory_space<vmem>>
    tpu.enqueue_dma source(%dma_start3A_181 : memref<64x128xf32, #tpu.memory_space<vmem>>) target(%dma_start3A_178 : memref<64x128xf32, #tpu.memory_space<hbm>>) target_semaphore(%arg20 : memref<!tpu.dma_semaphore, #tpu.memory_space<semaphore_mem>>)
    %dma_wait3A_182 = arith.constant 192 : i32
    %dma_wait3A_183 = arith.constant 0 : i32
    %dma_wait3A_184 = tpu.memref_slice %arg8[%dma_wait3A_182, %dma_wait3A_183] : memref<256x128xf32, #tpu.memory_space<vmem>> -> memref<64x128xf32, #tpu.memory_space<vmem>>
    %dma_wait3A_185 = arith.constant 0 : i32
    %dma_wait3A_186 = tpu.memref_slice %arg2[%add3A_48, %dma_wait3A_185] : memref<8192x128xf32, #tpu.memory_space<hbm>> -> memref<64x128xf32, #tpu.memory_space<hbm>>
    %dma_wait3A_187 = arith.constant 192 : i32
    %dma_wait3A_188 = arith.constant 0 : i32
    %dma_wait3A_189 = tpu.memref_slice %arg8[%dma_wait3A_187, %dma_wait3A_188] : memref<256x128xf32, #tpu.memory_space<vmem>> -> memref<64x128xf32, #tpu.memory_space<vmem>>
    %dma_wait3A_190 = arith.constant 0 : i32
    %dma_wait3A_191 = tpu.memref_slice %arg2[%add3A_48, %dma_wait3A_190] : memref<8192x128xf32, #tpu.memory_space<hbm>> -> memref<64x128xf32, #tpu.memory_space<hbm>>
    tpu.wait_dma2 semaphore(%arg17 : memref<!tpu.dma_semaphore, #tpu.memory_space<semaphore_mem>>) src(%dma_wait3A_191 : memref<64x128xf32, #tpu.memory_space<hbm>>) dst(%dma_wait3A_189 : memref<64x128xf32, #tpu.memory_space<vmem>>)
    %scan3A_192 = arith.constant 0 : i32
    %scan3A_193 = arith.constant 0 : i32
    %scan3A_194 = arith.constant 64 : i32
    %scan3A_195 = arith.addi %scan3A_193, %scan3A_194 : i32
    %scan3A_196 = arith.constant 1 : i32
    scf.for %scan3A_250 = %scan3A_193 to %scan3A_195 step %scan3A_196  : i32 {
      %add3A_251 = arith.constant 192 : i32
      %add3A_252 = arith.addi %add3A_251, %scan3A_250 : i32
      %broadcast_in_dim3A_253 = vector.broadcast %add3A_252 : i32 to vector<16xi32>
      %gather3A = tpu.vector_load_idx %arg13[%broadcast_in_dim3A_253] : memref<256xf32, #tpu.memory_space<vmem>>[vector<16xi32>], vector<16xf32>,
      %get3A_254 = arith.index_cast %add3A_252 : i32 to index
      %get3A_255 = arith.constant 0 : index
      %get3A_256 = tpu.vector_load %arg8[%get3A_254, %get3A_255] {strides = array<i32>} : memref<256x128xf32, #tpu.memory_space<vmem>>, vector<16xf32>,
      %add3A_257 = arith.addf %get3A_84, %gather3A : vector<16xf32>
      %add3A_258 = arith.addf %get3A_256, %add3A_257 : vector<16xf32>
      %swap3A = arith.index_cast %add3A_252 : i32 to index
      %swap3A_259 = arith.constant 0 : index
      %swap3A_260 = tpu.vector_load %arg8[%swap3A, %swap3A_259] {strides = array<i32>} : memref<256x128xf32, #tpu.memory_space<vmem>>, vector<16xf32>,
      tpu.vector_store %arg8[%swap3A, %swap3A_259], %add3A_258 {strides = array<i32>} : memref<256x128xf32, #tpu.memory_space<vmem>>, vector<16xf32>,
      %get3A_261 = arith.index_cast %add3A_252 : i32 to index
      %get3A_262 = arith.constant 16 : index
      %get3A_263 = tpu.vector_load %arg8[%get3A_261, %get3A_262] {strides = array<i32>} : memref<256x128xf32, #tpu.memory_space<vmem>>, vector<16xf32>,
      %add3A_264 = arith.addf %get3A_86, %gather3A : vector<16xf32>
      %add3A_265 = arith.addf %get3A_263, %add3A_264 : vector<16xf32>
      %swap3A_266 = arith.index_cast %add3A_252 : i32 to index
      %swap3A_267 = arith.constant 16 : index
      %swap3A_268 = tpu.vector_load %arg8[%swap3A_266, %swap3A_267] {strides = array<i32>} : memref<256x128xf32, #tpu.memory_space<vmem>>, vector<16xf32>,
      tpu.vector_store %arg8[%swap3A_266, %swap3A_267], %add3A_265 {strides = array<i32>} : memref<256x128xf32, #tpu.memory_space<vmem>>, vector<16xf32>,
      %get3A_269 = arith.index_cast %add3A_252 : i32 to index
      %get3A_270 = arith.constant 32 : index
      %get3A_271 = tpu.vector_load %arg8[%get3A_269, %get3A_270] {strides = array<i32>} : memref<256x128xf32, #tpu.memory_space<vmem>>, vector<16xf32>,
      %add3A_272 = arith.addf %get3A_88, %gather3A : vector<16xf32>
      %add3A_273 = arith.addf %get3A_271, %add3A_272 : vector<16xf32>
      %swap3A_274 = arith.index_cast %add3A_252 : i32 to index
      %swap3A_275 = arith.constant 32 : index
      %swap3A_276 = tpu.vector_load %arg8[%swap3A_274, %swap3A_275] {strides = array<i32>} : memref<256x128xf32, #tpu.memory_space<vmem>>, vector<16xf32>,
      tpu.vector_store %arg8[%swap3A_274, %swap3A_275], %add3A_273 {strides = array<i32>} : memref<256x128xf32, #tpu.memory_space<vmem>>, vector<16xf32>,
      %get3A_277 = arith.index_cast %add3A_252 : i32 to index
      %get3A_278 = arith.constant 48 : index
      %get3A_279 = tpu.vector_load %arg8[%get3A_277, %get3A_278] {strides = array<i32>} : memref<256x128xf32, #tpu.memory_space<vmem>>, vector<16xf32>,
      %add3A_280 = arith.addf %get3A_90, %gather3A : vector<16xf32>
      %add3A_281 = arith.addf %get3A_279, %add3A_280 : vector<16xf32>
      %swap3A_282 = arith.index_cast %add3A_252 : i32 to index
      %swap3A_283 = arith.constant 48 : index
      %swap3A_284 = tpu.vector_load %arg8[%swap3A_282, %swap3A_283] {strides = array<i32>} : memref<256x128xf32, #tpu.memory_space<vmem>>, vector<16xf32>,
      tpu.vector_store %arg8[%swap3A_282, %swap3A_283], %add3A_281 {strides = array<i32>} : memref<256x128xf32, #tpu.memory_space<vmem>>, vector<16xf32>,
      %get3A_285 = arith.index_cast %add3A_252 : i32 to index
      %get3A_286 = arith.constant 64 : index
      %get3A_287 = tpu.vector_load %arg8[%get3A_285, %get3A_286] {strides = array<i32>} : memref<256x128xf32, #tpu.memory_space<vmem>>, vector<16xf32>,
      %add3A_288 = arith.addf %get3A_92, %gather3A : vector<16xf32>
      %add3A_289 = arith.addf %get3A_287, %add3A_288 : vector<16xf32>
      %swap3A_290 = arith.index_cast %add3A_252 : i32 to index
      %swap3A_291 = arith.constant 64 : index
      %swap3A_292 = tpu.vector_load %arg8[%swap3A_290, %swap3A_291] {strides = array<i32>} : memref<256x128xf32, #tpu.memory_space<vmem>>, vector<16xf32>,
      tpu.vector_store %arg8[%swap3A_290, %swap3A_291], %add3A_289 {strides = array<i32>} : memref<256x128xf32, #tpu.memory_space<vmem>>, vector<16xf32>,
      %get3A_293 = arith.index_cast %add3A_252 : i32 to index
      %get3A_294 = arith.constant 80 : index
      %get3A_295 = tpu.vector_load %arg8[%get3A_293, %get3A_294] {strides = array<i32>} : memref<256x128xf32, #tpu.memory_space<vmem>>, vector<16xf32>,
      %add3A_296 = arith.addf %get3A_94, %gather3A : vector<16xf32>
      %add3A_297 = arith.addf %get3A_295, %add3A_296 : vector<16xf32>
      %swap3A_298 = arith.index_cast %add3A_252 : i32 to index
      %swap3A_299 = arith.constant 80 : index
      %swap3A_300 = tpu.vector_load %arg8[%swap3A_298, %swap3A_299] {strides = array<i32>} : memref<256x128xf32, #tpu.memory_space<vmem>>, vector<16xf32>,
      tpu.vector_store %arg8[%swap3A_298, %swap3A_299], %add3A_297 {strides = array<i32>} : memref<256x128xf32, #tpu.memory_space<vmem>>, vector<16xf32>,
      %get3A_301 = arith.index_cast %add3A_252 : i32 to index
      %get3A_302 = arith.constant 96 : index
      %get3A_303 = tpu.vector_load %arg8[%get3A_301, %get3A_302] {strides = array<i32>} : memref<256x128xf32, #tpu.memory_space<vmem>>, vector<16xf32>,
      %add3A_304 = arith.addf %get3A_96, %gather3A : vector<16xf32>
      %add3A_305 = arith.addf %get3A_303, %add3A_304 : vector<16xf32>
      %swap3A_306 = arith.index_cast %add3A_252 : i32 to index
      %swap3A_307 = arith.constant 96 : index
      %swap3A_308 = tpu.vector_load %arg8[%swap3A_306, %swap3A_307] {strides = array<i32>} : memref<256x128xf32, #tpu.memory_space<vmem>>, vector<16xf32>,
      tpu.vector_store %arg8[%swap3A_306, %swap3A_307], %add3A_305 {strides = array<i32>} : memref<256x128xf32, #tpu.memory_space<vmem>>, vector<16xf32>,
      %get3A_309 = arith.index_cast %add3A_252 : i32 to index
      %get3A_310 = arith.constant 112 : index
      %get3A_311 = tpu.vector_load %arg8[%get3A_309, %get3A_310] {strides = array<i32>} : memref<256x128xf32, #tpu.memory_space<vmem>>, vector<16xf32>,
      %add3A_312 = arith.addf %get3A_98, %gather3A : vector<16xf32>
      %add3A_313 = arith.addf %get3A_311, %add3A_312 : vector<16xf32>
      %swap3A_314 = arith.index_cast %add3A_252 : i32 to index
      %swap3A_315 = arith.constant 112 : index
      %swap3A_316 = tpu.vector_load %arg8[%swap3A_314, %swap3A_315] {strides = array<i32>} : memref<256x128xf32, #tpu.memory_space<vmem>>, vector<16xf32>,
      tpu.vector_store %arg8[%swap3A_314, %swap3A_315], %add3A_313 {strides = array<i32>} : memref<256x128xf32, #tpu.memory_space<vmem>>, vector<16xf32>,
    }
    %scan3A_197 = arith.constant 64 : i32
    %add3A_198 = arith.constant 192 : i32
    %add3A_199 = arith.addi %mul3A_2, %add3A_198 : i32
    %dma_start3A_200 = arith.constant 192 : i32
    %dma_start3A_201 = arith.constant 0 : i32
    %dma_start3A_202 = tpu.memref_slice %arg8[%dma_start3A_200, %dma_start3A_201] : memref<256x128xf32, #tpu.memory_space<vmem>> -> memref<64x128xf32, #tpu.memory_space<vmem>>
    %dma_start3A_203 = arith.constant 0 : i32
    %dma_start3A_204 = tpu.memref_slice %arg7[%add3A_199, %dma_start3A_203] : memref<8192x128xf32, #tpu.memory_space<hbm>> -> memref<64x128xf32, #tpu.memory_space<hbm>>
    %dma_start3A_205 = arith.constant 0 : i32
    %dma_start3A_206 = tpu.memref_slice %arg7[%add3A_199, %dma_start3A_205] : memref<8192x128xf32, #tpu.memory_space<hbm>> -> memref<64x128xf32, #tpu.memory_space<hbm>>
    %dma_start3A_207 = arith.constant 192 : i32
    %dma_start3A_208 = arith.constant 0 : i32
    %dma_start3A_209 = tpu.memref_slice %arg8[%dma_start3A_207, %dma_start3A_208] : memref<256x128xf32, #tpu.memory_space<vmem>> -> memref<64x128xf32, #tpu.memory_space<vmem>>
    tpu.enqueue_dma source(%dma_start3A_209 : memref<64x128xf32, #tpu.memory_space<vmem>>) target(%dma_start3A_206 : memref<64x128xf32, #tpu.memory_space<hbm>>) target_semaphore(%arg21 : memref<!tpu.dma_semaphore, #tpu.memory_space<semaphore_mem>>)
    %dma_wait3A_210 = arith.constant 0 : i32
    %dma_wait3A_211 = arith.constant 0 : i32
    %dma_wait3A_212 = tpu.memref_slice %arg8[%dma_wait3A_210, %dma_wait3A_211] : memref<256x128xf32, #tpu.memory_space<vmem>> -> memref<64x128xf32, #tpu.memory_space<vmem>>
    %dma_wait3A_213 = arith.constant 0 : i32
    %dma_wait3A_214 = tpu.memref_slice %arg7[%add3A_115, %dma_wait3A_213] : memref<8192x128xf32, #tpu.memory_space<hbm>> -> memref<64x128xf32, #tpu.memory_space<hbm>>
    %dma_wait3A_215 = arith.constant 0 : i32
    %dma_wait3A_216 = tpu.memref_slice %arg7[%add3A_115, %dma_wait3A_215] : memref<8192x128xf32, #tpu.memory_space<hbm>> -> memref<64x128xf32, #tpu.memory_space<hbm>>
    %dma_wait3A_217 = arith.constant 0 : i32
    %dma_wait3A_218 = arith.constant 0 : i32
    %dma_wait3A_219 = tpu.memref_slice %arg8[%dma_wait3A_217, %dma_wait3A_218] : memref<256x128xf32, #tpu.memory_space<vmem>> -> memref<64x128xf32, #tpu.memory_space<vmem>>
    tpu.wait_dma2 semaphore(%arg18 : memref<!tpu.dma_semaphore, #tpu.memory_space<semaphore_mem>>) src(%dma_wait3A_219 : memref<64x128xf32, #tpu.memory_space<vmem>>) dst(%dma_wait3A_216 : memref<64x128xf32, #tpu.memory_space<hbm>>)
    %dma_wait3A_220 = arith.constant 64 : i32
    %dma_wait3A_221 = arith.constant 0 : i32
    %dma_wait3A_222 = tpu.memref_slice %arg8[%dma_wait3A_220, %dma_wait3A_221] : memref<256x128xf32, #tpu.memory_space<vmem>> -> memref<64x128xf32, #tpu.memory_space<vmem>>
    %dma_wait3A_223 = arith.constant 0 : i32
    %dma_wait3A_224 = tpu.memref_slice %arg7[%add3A_143, %dma_wait3A_223] : memref<8192x128xf32, #tpu.memory_space<hbm>> -> memref<64x128xf32, #tpu.memory_space<hbm>>
    %dma_wait3A_225 = arith.constant 0 : i32
    %dma_wait3A_226 = tpu.memref_slice %arg7[%add3A_143, %dma_wait3A_225] : memref<8192x128xf32, #tpu.memory_space<hbm>> -> memref<64x128xf32, #tpu.memory_space<hbm>>
    %dma_wait3A_227 = arith.constant 64 : i32
    %dma_wait3A_228 = arith.constant 0 : i32
    %dma_wait3A_229 = tpu.memref_slice %arg8[%dma_wait3A_227, %dma_wait3A_228] : memref<256x128xf32, #tpu.memory_space<vmem>> -> memref<64x128xf32, #tpu.memory_space<vmem>>
    tpu.wait_dma2 semaphore(%arg19 : memref<!tpu.dma_semaphore, #tpu.memory_space<semaphore_mem>>) src(%dma_wait3A_229 : memref<64x128xf32, #tpu.memory_space<vmem>>) dst(%dma_wait3A_226 : memref<64x128xf32, #tpu.memory_space<hbm>>)
    %dma_wait3A_230 = arith.constant 128 : i32
    %dma_wait3A_231 = arith.constant 0 : i32
    %dma_wait3A_232 = tpu.memref_slice %arg8[%dma_wait3A_230, %dma_wait3A_231] : memref<256x128xf32, #tpu.memory_space<vmem>> -> memref<64x128xf32, #tpu.memory_space<vmem>>
    %dma_wait3A_233 = arith.constant 0 : i32
    %dma_wait3A_234 = tpu.memref_slice %arg7[%add3A_171, %dma_wait3A_233] : memref<8192x128xf32, #tpu.memory_space<hbm>> -> memref<64x128xf32, #tpu.memory_space<hbm>>
    %dma_wait3A_235 = arith.constant 0 : i32
    %dma_wait3A_236 = tpu.memref_slice %arg7[%add3A_171, %dma_wait3A_235] : memref<8192x128xf32, #tpu.memory_space<hbm>> -> memref<64x128xf32, #tpu.memory_space<hbm>>
    %dma_wait3A_237 = arith.constant 128 : i32
    %dma_wait3A_238 = arith.constant 0 : i32
    %dma_wait3A_239 = tpu.memref_slice %arg8[%dma_wait3A_237, %dma_wait3A_238] : memref<256x128xf32, #tpu.memory_space<vmem>> -> memref<64x128xf32, #tpu.memory_space<vmem>>
    tpu.wait_dma2 semaphore(%arg20 : memref<!tpu.dma_semaphore, #tpu.memory_space<semaphore_mem>>) src(%dma_wait3A_239 : memref<64x128xf32, #tpu.memory_space<vmem>>) dst(%dma_wait3A_236 : memref<64x128xf32, #tpu.memory_space<hbm>>)
    %dma_wait3A_240 = arith.constant 192 : i32
    %dma_wait3A_241 = arith.constant 0 : i32
    %dma_wait3A_242 = tpu.memref_slice %arg8[%dma_wait3A_240, %dma_wait3A_241] : memref<256x128xf32, #tpu.memory_space<vmem>> -> memref<64x128xf32, #tpu.memory_space<vmem>>
    %dma_wait3A_243 = arith.constant 0 : i32
    %dma_wait3A_244 = tpu.memref_slice %arg7[%add3A_199, %dma_wait3A_243] : memref<8192x128xf32, #tpu.memory_space<hbm>> -> memref<64x128xf32, #tpu.memory_space<hbm>>
    %dma_wait3A_245 = arith.constant 0 : i32
    %dma_wait3A_246 = tpu.memref_slice %arg7[%add3A_199, %dma_wait3A_245] : memref<8192x128xf32, #tpu.memory_space<hbm>> -> memref<64x128xf32, #tpu.memory_space<hbm>>
    %dma_wait3A_247 = arith.constant 192 : i32
    %dma_wait3A_248 = arith.constant 0 : i32
    %dma_wait3A_249 = tpu.memref_slice %arg8[%dma_wait3A_247, %dma_wait3A_248] : memref<256x128xf32, #tpu.memory_space<vmem>> -> memref<64x128xf32, #tpu.memory_space<vmem>>
    tpu.wait_dma2 semaphore(%arg21 : memref<!tpu.dma_semaphore, #tpu.memory_space<semaphore_mem>>) src(%dma_wait3A_249 : memref<64x128xf32, #tpu.memory_space<vmem>>) dst(%dma_wait3A_246 : memref<64x128xf32, #tpu.memory_space<hbm>>)
    return
  }
}

</mosaic_0001>

<sc_bundles>
// kernel: kernel.3.cloned.1.call-start
scs
__scs_entry_jumppad:
0x0: {  	(pc) =	sbr.rel $0x88, $3  }
0x1: {  	(tag) =	ssettag $0x0;
	lr =	simm.s32 $0x1  }
0x2: {  	[smem:$0x3F9C] =	sst lr;
	_ =	strace $0xD0000000  }
0x3: {  	_ = 	snop  }
0x4: {  	_ = 	snop  }
0x5: {  	_ = 	snop  }
0x6: {  	_ = 	snop  }
0x7: {  	_ = 	snop  }
__scs_overlays_trampoline_lowered:
0x8: {  	[smem:$0x3FAB] =	sst s0  }
0x9: {  	[smem:$0x3FAC] =	sst s1  }
0xa: {  	[smem:$0x3FAD] =	sst s2  }
0xb: {  	[smem:$0x3FAE] =	sst s3  }
0xc: {  	[smem:$0x3FAF] =	sst s4  }
0xd: {  	[smem:$0x3FB0] =	sst s5  }
0xe: {  	[smem:$0x3FB1] =	sst s6  }
0xf: {  	[smem:$0x3FB2] =	sst s7  }
0x10: {  	[smem:$0x3FB3] =	sst s8  }
0x11: {  	[smem:$0x3FB4] =	sst s9;
	s0 =	simm.s32 @!p0 $0x0  }
0x12: {  	s1 =	sld [smem:$0x3F9A];
	s0 =	simm.s32 @p0 $0x1  }
0x13: {  	[smem:$0x3FB5] =	sst s0;
	s0 =	simm.s32 @!p1 $0x0  }
0x14: {  	s2 =	sld [smem:$0x3F99];
	s0 =	simm.s32 @p1 $0x1  }
0x15: {  	[smem:$0x3FB6] =	sst s0;
	s0 =	simm.s32 @!p2 $0x0  }
0x16: {  	s3 =	sld [smem:$0x3FDB];
	s0 =	simm.s32 @p2 $0x1  }
0x17: {  	s4 =	simm.s32 $0x1BF5;
	[smem:$0x3FB8] =	sst s0  }
0x18: {  	s0 =	sld [smem:$0x3F9B];
	_ =	swait.ge [sflag:s4], $0x0  }
0x19: {  	s7 =	sld [smem:$0x3F9C]  }
0x1a: {  	s8 =	sadd.s32 $0xFFFFE003, lr  }
0x1b: {  	s9 =	sadd.s32 $0xFFFFFEF7, lr;
	s5 =	simm.s32 $0xFFFFFFFF;
	p2 =	slt.u32 s8, $0xFFFFF086  }
0x1c: {  	p1 =	slt.u32 s9, $0xF7A;
	s5 =	simm.s32 @!p2 $0x0  }
0x1d: {  	s5 =	simm.s32 @p1 $0x1;
	p0 =	seq.s32 s7, s2  }
0x1e: {  	s7 =	smul.u32 @!p0 $0xF7A, s2;
	p2 =	seq.s32 @!p0 s5, $0x0  }
0x1f: {  	s9 =	smul.u32 $0xF7A, s1;
	s8 =	simm.s32 @!p0 $0x1BF5;
	p2 =	por !p2, p0  }
0x20: {  	[sflag:s8] =	ssyncset.s32 @!p0 $0xFFFFF086;
	s6 =	sadd.s32 @!p0 s3, s7;
	s7 =	simm.s32 @!p0 $0x108  }
0x21: {  	s3 =	sadd.s32 s3, s9;
	s6 =	sadd.s32 @!p0 $0x88, s6;
	s7 =	simm.s32 @p2 $0x1082  }
0x22: {  	[simem:s7], [sflag:s8] =	dma.local @!p0 [hbm:s6], $0xF7A  }
0x23: {  	s9 =	sor.u32 $0xD0000000, s2;
	s6 =	simm.s32 $0x108;
	_ =	swait.ge @!p0 [sflag:s8], $0x0  }
0x24: {  	s3 =	sadd.s32 $0x88, s3;
	s6 =	simm.s32 @!p1 $0x1082;
	[sflag:s4] =	ssyncset.s32 $0xFFFFF086  }
0x25: {  	[simem:s6], [sflag:s4] =	dma.local [hbm:s3], $0xF7A  }
0x26: {  	[smem:$0x3F9C] =	sst s1;
	(tag) =	ssettag s2;
	_ =	strace s9  }
0x27: {  	s1 =	sld [smem:$0x3FAC]  }
0x28: {  	s2 =	sld [smem:$0x3FAD]  }
0x29: {  	s4 =	sld [smem:$0x3FAF]  }
0x2a: {  	p0 =	seq.s32 s5, $0x0;
	s5 =	sld [smem:$0x3FB0]  }
0x2b: {  	s6 =	sld [smem:$0x3FB1]  }
0x2c: {  	s7 =	sld [smem:$0x3FB2]  }
0x2d: {  	s3 =	simm.s32 $0x108;
	s8 =	sld [smem:$0x3FB3]  }
0x2e: {  	s3 =	simm.s32 @!p0 $0x1082;
	s9 =	sld [smem:$0x3FB4]  }
0x2f: {  	lr =	sadd.s32 s0, s3;
	s0 =	sld [smem:$0x3FAB]  }
0x30: {  	s3 =	sld [smem:$0x3FAE]  }
0x31: {  	[smem:$0x3FB7] =	sst s10  }
0x32: {  	s10 =	sld [smem:$0x3FB5];
	_ =	sdelay $0x3  }
0x33: {  	p0 =	seq.s32 s10, $0x1;
	s10 =	sld [smem:$0x3FB7];
	_ =	sdelay $0x3  }
0x34: {  	[smem:$0x3FB7] =	sst s10  }
0x35: {  	s10 =	sld [smem:$0x3FB6];
	_ =	sdelay $0x3  }
0x36: {  	p1 =	seq.s32 s10, $0x1;
	s10 =	sld [smem:$0x3FB7];
	_ =	sdelay $0x3  }
0x37: {  	[smem:$0x3FB7] =	sst s10  }
0x38: {  	s10 =	sld [smem:$0x3FB8]  }
0x39: {  	_ = 	snop;
	(pc) =	sbr.ind lr, $3  }
0x3a: {  	_ = 	snop  }
0x3b: {  	_ = 	snop  }
0x3c: {  	p2 =	seq.s32 s10, $0x1;
	s10 =	sld [smem:$0x3FB7]  }
0x3d: {  	_ =	shalt  }
0x3e: {  	_ =	shalt  }
0x3f: {  	_ =	shalt  }
0x40: {  	_ =	shalt  }
0x41: {  	_ =	shalt  }
0x42: {  	_ =	shalt  }
0x43: {  	_ =	shalt  }
0x44: {  	_ =	shalt  }
0x45: {  	_ =	shalt  }
0x46: {  	_ =	shalt  }
0x47: {  	_ =	shalt  }
0x48: {  	_ =	shalt  }
0x49: {  	_ =	shalt  }
0x4a: {  	_ =	shalt  }
0x4b: {  	_ =	shalt  }
0x4c: {  	_ =	shalt  }
0x4d: {  	_ =	shalt  }
0x4e: {  	_ =	shalt  }
0x4f: {  	_ =	shalt  }
0x50: {  	_ =	shalt  }
0x51: {  	_ =	shalt  }
0x52: {  	_ =	shalt  }
0x53: {  	_ =	shalt  }
0x54: {  	_ =	shalt  }
0x55: {  	_ =	shalt  }
0x56: {  	_ =	shalt  }
0x57: {  	_ =	shalt  }
0x58: {  	_ =	shalt  }
0x59: {  	_ =	shalt  }
0x5a: {  	_ =	shalt  }
0x5b: {  	_ =	shalt  }
0x5c: {  	_ =	shalt  }
0x5d: {  	_ =	shalt  }
0x5e: {  	_ =	shalt  }
0x5f: {  	_ =	shalt  }
0x60: {  	_ =	shalt  }
0x61: {  	_ =	shalt  }
0x62: {  	_ =	shalt  }
0x63: {  	_ =	shalt  }
0x64: {  	_ =	shalt  }
0x65: {  	_ =	shalt  }
0x66: {  	_ =	shalt  }
0x67: {  	_ =	shalt  }
0x68: {  	_ =	shalt  }
0x69: {  	_ =	shalt  }
0x6a: {  	_ =	shalt  }
0x6b: {  	_ =	shalt  }
0x6c: {  	_ =	shalt  }
0x6d: {  	_ =	shalt  }
0x6e: {  	_ =	shalt  }
0x6f: {  	_ =	shalt  }
0x70: {  	_ =	shalt  }
0x71: {  	_ =	shalt  }
0x72: {  	_ =	shalt  }
0x73: {  	_ =	shalt  }
0x74: {  	_ =	shalt  }
0x75: {  	_ =	shalt  }
0x76: {  	_ =	shalt  }
0x77: {  	_ =	shalt  }
0x78: {  	_ =	shalt  }
0x79: {  	_ =	shalt  }
0x7a: {  	_ =	shalt  }
0x7b: {  	_ =	shalt  }
0x7c: {  	_ =	shalt  }
0x7d: {  	_ =	shalt  }
0x7e: {  	_ =	shalt  }
0x7f: {  	_ =	shalt  }
0x80: {  	_ =	shalt  }
0x81: {  	_ =	shalt  }
0x82: {  	_ =	shalt  }
0x83: {  	_ =	shalt  }
0x84: {  	_ =	shalt  }
0x85: {  	_ =	shalt  }
0x86: {  	_ =	shalt  }
0x87: {  	_ =	shalt  }
.Lfunc_end0:
.L_simem_size_0:
called_computation_lowered:
.L_overlay_start_0:
0x88: {  	s2 =	sld [smem:$0x3FD9]  }
0x89: {  	s3 =	sld [smem:$0x3FFE];
	_ =	sdelay $0x1  }
0x8a: {  	s1 =	srdreg.scid  }
0x8b: {  	s0 =	sand.u32 $0x1, s1  }
0x8c: {  	s17 =	sshll.u32 s0, $0xA;
	s2 =	sadd.s32 s3, s2  }
0x8d: {  	s2 =	sadd.s32 s2, s17  }
0x8e: {  	[smem:$0x3FC3] =	sst s2  }
0x8f: {  	_ = 	snop  }
0x90: {  	s2 =	sld [smem:$0x3FC9]  }
0x91: {  	s18 =	sld [smem:$0x3FC6]  }
0x92: {  	s4 =	sld [smem:$0x3FC5]  }
0x93: {  	s5 =	sld [smem:$0x3FD0];
	(tm) =	ssettm $0x1  }
0x94: {  	s6 =	sld [smem:$0x3FFB];
	_ =	sdelay $0x3  }
0x95: {  	_ =	strace s6  }
0x96: {  	s6 =	sld [smem:$0x3FFC];
	_ =	sdelay $0x3  }
0x97: {  	_ =	strace s6  }
0x98: {  	s6 =	sld [smem:$0x3FFD];
	_ =	sdelay $0x3  }
0x99: {  	_ =	strace s6  }
0x9a: {  	_ =	strace $0x8FFFFFFF  }
0x9b: {  	s19 =	sld [smem:$0x3FDB];
	_ =	sdelay $0x1  }
0x9c: {  	s7 =	simm.s32 $_scs_section_size  }
0x9d: {  	s8 =	simm.s32 $_size__tile_overlayer_lowered;
	s9 =	simm.s32 $_tile_overlayer_lowered  }
0x9e: {  	s22 =	simm.s32 $0x1BFF;
	s21 =	sshll.u32 s9, $0x1;
	s6 =	sadd.s32 s7, s19  }
0x9f: {  	s10 =	simm.s32 $0x0;
	s20 =	sshll.u32 s8, $0x1;
	s8 =	sadd.s32 s21, s6  }
0xa0: {  	[timem:s10], [sflag:s22] =	dma.local [hbm:s8], s20  }
0xa1: {  	_ =	swait.ge [sflag:s22], s20  }
0xa2: {  	s7 =	ssub.s32 $0x0, s20;
	[sflag:s22] =	ssyncset.done $0x0  }
0xa3: {  	[sflag:s22] =	ssyncadd.s32 s7;
	_ =	sdelay $0x1  }
0xa4: {  	s23 =	simm.s32 $0x1B8B  }
0xa5: {  	_ =	swait.ge [sflag:s23], $0x1  }
0xa6: {  	[sflag:s23] =	ssyncset.done $0x0  }
0xa7: {  	s25 =	simm.s32 $0x1B8E;
	s24 =	sld [smem:$0x3FFE];
	[sflag:s23] =	ssyncadd.s32 $0xFFFFFFFF  }
0xa8: {  	s26 =	simm.s32 $execute0_lowered;
	[smem:$0x3FD2] =	sst s25  }
0xa9: {  	s8 =	sshll.u32 s26, $0x1;
	_ =	strace $0x80000046;
	[dreg:$0x1] =	wrdreg $0xFFFFFFFF  }
0xaa: {  	s28 =	simm.s32 $_size_execute0_lowered;
	s6 =	sadd.s32 s6, s8;
	[dreg:$0x0] =	wrdreg $0x0  }
0xab: {  	s8 =	sshll.u32 s28, $0x1;
	[dreg:$0x2] =	wrdreg s6  }
0xac: {  	[dreg:$0x3] =	wrdreg s8  }
0xad: {  	[dreg:$0x4] =	wrdreg $0xC0  }
0xae: {  	_ =	task [dreg:s10], $0x5FFFF  }
0xaf: {  	[dreg:$0x1] =	wrdreg $0xFFFFFFFF  }
0xb0: {  	[dreg:$0x0] =	wrdreg $0x60  }
0xb1: {  	[dreg:$0x2] =	wrdreg s2  }
0xb2: {  	[dreg:$0x3] =	wrdreg s24  }
0xb3: {  	[dreg:$0x4] =	wrdreg s18  }
0xb4: {  	[dreg:$0x5] =	wrdreg s4  }
0xb5: {  	[dreg:$0x6] =	wrdreg s5  }
0xb6: {  	[dreg:$0x7] =	wrdreg $0x9  }
0xb7: {  	_ =	task.clear_ibuf [dreg:s10], $0x8FFFF;
	_ =	strace $0x90000046  }
0xb8: {  	s29 =	simm.s32 $0x9;
	_ =	strace $0x80000048  }
0xb9: {  	_ =	swait.ge [sflag:s29], $0x1  }
0xba: {  	[sflag:s29] =	ssyncadd.s32 $0xFFFFFFFF  }
0xbb: {  	_ =	strace $0x90000048  }
0xbc: {  	_ =	sfence  }
0xbd: {  	s30 =	sld [smem:$0x0];
	_ =	sdelay $0x2  }
0xbe: {  	s31 =	sshll.u32 s1, $0xD;
	s1 =	sshrl.u32 s1, $0x2  }
0xbf: {  	s3 =	sand.u32 $0x4000, s31;
	s1 =	sadd.s32 s1, s30  }
0xc0: {  	s0 =	sor.u32 s3, s0;
	s1 =	sshll.u32 s1, $0x11  }
0xc1: {  	s0 =	sor.u32 s1, s0  }
0xc2: {  	s0 =	sadd.s32 $0x8F2B, s0  }
0xc3: {  	[sflag:s0] =	ssyncadd.remote.s32 $0x1  }
0xc4: {  	_ =	sfence.sel $0xFFFF  }
0xc5: {  	[dreg:$0x0] =	wrdreg $0xFFFFFFFF;
	(pc) =	sbr.abs _section_cstart, $3  }
0xc6: {  	[dreg:$0x1] =	wrdreg $0xFFFFFFFF  }
0xc7: {  	_ =	task.clear_ibuf [dreg:s10], $0x2FFFF;
	_ =	strace $0x9FFFFFFF  }
0xc8: {  	(tm) =	ssettm $0x7FFFFFFF  }
0xc9: {  	_ =	shalt  }
tec
execute0_lowered:
.L_overlay_start_1:
0x0: {  	(tag) =	ssettag $0x1  }
0x1: {  	s0 =	rddreg [dreg:$0x0]  }
0x2: {  	s1 =	rddreg [dreg:$0x1]  }
0x3: {  	s2 =	rddreg [dreg:$0x4]  }
0x4: {  	s3 =	srdreg.scid;
	s5 =	stileid.u32  }
0x5: {  	s4 =	simm.s32 $0x0;
	s17 =	simm.s32 $0x9;
	s21 =	simm.s32 $0x2000  }
0x6: {  	s22 =	simm.s32 $0x4000;
	s23 =	simm.s32 $0x6000;
	s28 =	simm.s32 $0x2  }
0x7: {  	s29 =	simm.s32 $0x3;
	s30 =	simm.s32 $0x4;
	s3 =	sand.u32 $0x1, s3  }
0x8: {  	s31 =	simm.s32 $0x5;
	s5 =	sshll.u32 s5, $0xD;
	s6 =	sshll.u32 s3, $0xC  }
0x9: {  	[smem:$0x7FF] =	sst s4;
	s3 =	ssub.s32 $0x2, s3;
	s11 =	sor.u32 s6, s5  }
0xa: {  	_ =	strace $0x80000047;
	s25 =	sshrl.u32 s3, $0x1;
	s5 =	sand.u32 $0x7000, s11  }
0xb: {  	s7 =	sadd.s32 s0, s11;
	s26 =	sor.u32 $0x400, s11;
	s13 =	sor.u32 $0x800, s11  }
0xc: {  	s14 =	sor.u32 $0xC00, s11;
	s11 =	sadd.s32 s2, s11;
	s24 =	sadd.s32 s5, s1  }
0xd: {  	s1 =	sadd.s32 $0x400, s1;
	s8 =	sadd.s32 s0, s26;
	s9 =	sadd.s32 s0, s13  }
0xe: {  	s10 =	sadd.s32 s0, s14;
	s12 =	sadd.s32 s2, s26;
	s13 =	sadd.s32 s2, s13  }
0xf: {  	s14 =	sadd.s32 s2, s14;
	s26 =	simm.s32 $0x1;
	s0 =	simm.s32 $0x6  }
0x10: {  	s2 =	simm.s32 $0x7;
	[dreg:$0x6] =	wrdreg s1;
	s1 =	ssub.s32 s3, s25  }
0x11: {  	s6 =	sadd.s32 $0xC00, s24;
	s24 =	simm.s32 $0x14080;
	s25 =	simm.s32 $0x14100  }
0x12: {  	vm0 =	vmmov $0x1;
	s3 =	simm.s32 $0x0;
	s15 =	smax.u32 s1, $0x1;
	s1 =	simm.s32 $0x8  }
.LBB2_1:
0x13: {  	s5 =	simm.s32 $0x8000  }
0x14: {  	[tilespmem:s5], [sflag:$0x9] =	stream.linear.gather [hbm4b:s6+s4], $0x8000, $0x38;
	[tilespmem:$0x14200] =	vst v63  }
0x15: {  	_ =	swait.ge [sflag:s17], $0x8000  }
0x16: {  	[sflag:s17] =	ssyncset.done $0x0  }
0x17: {  	s16 =	simm.s32 $0x10000;
	s20 =	rddreg [dreg:$0x6];
	[sflag:s17] =	ssyncadd.s32 $0xFFFF8000  }
0x18: {  	[tilespmem:s16], [sflag:$0x9] =	stream.linear.gather [hbm4b:s20+s4], $0x4000, $0x38;
	[tilespmem:$0x14200] =	vst v63  }
0x19: {  	_ =	swait.ge [sflag:s17], $0x4000  }
0x1a: {  	[sflag:s17] =	ssyncset.done $0x0  }
0x1b: {  	[sflag:s17] =	ssyncadd.s32 $0xFFFFC000  }
0x1c: {  	s18 =	simm.s32 $0x14010;
	s16 =	rddreg [dreg:$0x2]  }
0x1d: {  	[tilespmem:s18], [sflag:$0x9] =	stream.linear.gather [hbm4b:s16+s4], $0x20, $0x38;
	[tilespmem:$0x14200] =	vst v63  }
0x1e: {  	_ =	swait.ge [sflag:s17], $0x20  }
0x1f: {  	[sflag:s17] =	ssyncset.done $0x0  }
0x20: {  	[sflag:s17] =	ssyncadd.s32 $0xFFFFFFE0  }
0x21: {  	s20 =	simm.s32 $0x14008;
	s19 =	rddreg [dreg:$0x3]  }
0x22: {  	[tilespmem:s20], [sflag:$0x9] =	stream.linear.gather [hbm4b:s19+s4], $0x1, $0x38;
	[tilespmem:$0x14200] =	vst v63  }
0x23: {  	_ =	swait.ge [sflag:s17], $0x1  }
0x24: {  	[sflag:s17] =	ssyncset.done $0x0  }
0x25: {  	[sflag:s17] =	ssyncadd.s32 $0xFFFFFFFF  }
0x26: {  	[tilespmem:s4], [sflag:$0x1] =	stream.linear.gather [hbm4b:s7+s4], $0x2000, $0x38;
	[tilespmem:$0x14200] =	vst v63  }
0x27: {  	_ = 	snop  }
0x28: {  	[tilespmem:s21], [sflag:$0x2] =	stream.linear.gather [hbm4b:s8+s4], $0x2000, $0x38;
	[tilespmem:$0x14200] =	vst v63  }
0x29: {  	_ = 	snop  }
0x2a: {  	[tilespmem:s22], [sflag:$0x3] =	stream.linear.gather [hbm4b:s9+s4], $0x2000, $0x38;
	[tilespmem:$0x14200] =	vst v63  }
0x2b: {  	_ = 	snop  }
0x2c: {  	[tilespmem:s23], [sflag:$0x4] =	stream.linear.gather [hbm4b:s10+s4], $0x2000, $0x38;
	[tilespmem:$0x14200] =	vst v63  }
0x2d: {  	v0 =	vld [tilespmem:$0x14008];
	_ =	sdelay $0x4  }
0x2e: {  	v0 =	vnsel vm0, $0x0, v0  }
0x2f: {  	(xrf2) =	vadd.scan.msk.f32 $0xffff, v0;
	_ =	sdelay $0x9  }
0x30: {  	v0, _, _ =	vpop (xrf2)  }
0x31: {  	(v2sf) =	vpush v0, $0xF;
	_ =	sdelay $0xb  }
0x32: {  	v0 =	vld [tilespmem:$0x14010];
	_ =	sdelay $0x2  }
0x33: {  	s18 =	simm.s32 $0x10010;
	s19 =	simm.s32 $0x0;
	v1 =	vld [tilespmem:$0x14020];
	s16 =	spop (v2sf)  }
.LBB2_2:
0x34: {  	v2 =	vld [tilespmem:s18+$0xFFFFFFF0]  }
0x35: {  	v3 =	vld [tilespmem:s18+$0x0];
	_ =	sdelay $0x3  }
0x36: {  	v2 =	vmul.f32 v2, v0  }
0x37: {  	v3 =	vmul.f32 v3, v1  }
0x38: {  	(xrf2) =	vadd.scan.msk.f32 $0xffff, v2  }
0x39: {  	(xrf2) =	vadd.scan.msk.f32 $0xffff, v3;
	_ =	sdelay $0x8  }
0x3a: {  	v2, _, _ =	vpop (xrf2)  }
0x3b: {  	(v2sf) =	vpush v2, $0xF;
	v2, _, _ =	vpop (xrf2)  }
0x3c: {  	(v2sf) =	vpush v2, $0xF;
	_ =	sdelay $0xd  }
0x3d: {  	s20 =	spop (v2sf)  }
0x3e: {  	s5 =	spop (v2sf)  }
0x3f: {  	s5 =	sadd.f32 s5, s20;
	_ =	sdelay $0x1  }
0x40: {  	s5 =	sadd.f32 s5, s16;
	_ =	sdelay $0x1  }
0x41: {  	p0 =	sne.s32 s19, $0x7F;
	v2 =	vmov s19;
	v3 =	vmov s5  }
.Ltmp0:
0x42: {  	v3 =	vadd.f32 $0.0e+00, v3;
	(pc) =	sbr.rel @p0 .LBB2_2-.Ltmp0, $3  }
0x43: {  	_ = 	snop  }
0x44: {  	v3 =	vbroadcast v3, $0x0;
	_ =	sdelay $0x1  }
0x45: {  	s18 =	sadd.s32 $0x80, s18;
	s19 =	sadd.s32 $0x1, s19;
	[tilespmem:v2+s24+$0x0] =	vst.idx.msk $0x1, v3  }
0x46: {  	s18 =	simm.s32 $0x8010  }
0x47: {  	v2 =	vld [tilespmem:s18+$0xFFFFFFF0];
	_ =	sdelay $0x2  }
0x48: {  	s16 =	simm.s32 $0x0;
	s19 =	simm.s32 $0x1;
	v3 =	vld [tilespmem:s18+$0x0]  }
.LBB2_4:
0x49: {  	p0 =	sne.s32 s19, $0xFF  }
0x4a: {  	v2 =	vmul.f32 v2, v0;
	_ =	sdelay $0x1  }
0x4b: {  	(xrf2) =	vadd.scan.msk.f32 $0xffff, v2  }
0x4c: {  	v2 =	vmul.f32 v3, v1;
	_ =	sdelay $0x1  }
0x4d: {  	(xrf2) =	vadd.scan.msk.f32 $0xffff, v2;
	_ =	sdelay $0x6  }
0x4e: {  	v2, _, _ =	vpop (xrf2);
	_ =	sdelay $0x2  }
0x4f: {  	(v2sf) =	vpush v2, $0xF;
	v2, _, _ =	vpop (xrf2)  }
0x50: {  	(v2sf) =	vpush v2, $0xF;
	_ =	sdelay $0xd  }
0x51: {  	s5 =	spop (v2sf)  }
0x52: {  	s20 =	spop (v2sf)  }
0x53: {  	s5 =	sadd.f32 s20, s5;
	_ =	sdelay $0x1  }
0x54: {  	v2 =	vmov s16;
	s16 =	smov.u32 s19;
	v3 =	vmov s5  }
0x55: {  	v3 =	vadd.f32 $0.0e+00, v3;
	_ =	sdelay $0x1  }
0x56: {  	v3 =	vbroadcast v3, $0x0;
	_ =	sdelay $0x1  }
.Ltmp1:
0x57: {  	s18 =	sadd.s32 $0x80, s18;
	[tilespmem:v2+s25+$0x0] =	vst.idx.msk $0x1, v3;
	(pc) =	sbr.rel @p0 .LBB2_4-.Ltmp1, $2  }
0x58: {  	v2 =	vld [tilespmem:s18+$0xFFFFFFF0];
	_ =	sdelay $0x2  }
0x59: {  	s19 =	sadd.s32 $0x1, s19;
	v3 =	vld [tilespmem:s18+$0x0]  }
0x5a: {  	_ =	sdelay $0x2  }
0x5b: {  	v0 =	vmul.f32 v2, v0  }
0x5c: {  	v1 =	vmul.f32 v3, v1  }
0x5d: {  	(xrf2) =	vadd.scan.msk.f32 $0xffff, v0  }
0x5e: {  	(xrf2) =	vadd.scan.msk.f32 $0xffff, v1;
	_ =	sdelay $0x8  }
0x5f: {  	v0, _, _ =	vpop (xrf2)  }
0x60: {  	(v2sf) =	vpush v0, $0xF;
	v0, _, _ =	vpop (xrf2)  }
0x61: {  	(v2sf) =	vpush v0, $0xF;
	_ =	sdelay $0xd  }
0x62: {  	s5 =	spop (v2sf)  }
0x63: {  	s18 =	spop (v2sf)  }
0x64: {  	s5 =	sadd.f32 s18, s5;
	_ =	sdelay $0x1  }
0x65: {  	v0 =	vmov s16;
	v1 =	vmov s5  }
0x66: {  	v1 =	vadd.f32 $0.0e+00, v1;
	_ =	sdelay $0x1  }
0x67: {  	v1 =	vbroadcast v1, $0x0;
	_ =	sdelay $0x1  }
0x68: {  	[tilespmem:v0+s25+$0x0] =	vst.idx.msk $0x1, v1  }
0x69: {  	v6 =	vld [tilespmem:$0x14080]  }
0x6a: {  	v7 =	vld [tilespmem:$0x14090]  }
0x6b: {  	v5 =	vld [tilespmem:$0x140A0]  }
0x6c: {  	v4 =	vld [tilespmem:$0x140B0]  }
0x6d: {  	s19 =	simm.s32 $0x0;
	v3 =	vld [tilespmem:$0x140C0]  }
0x6e: {  	v8 =	vmov s19;
	v1 =	vld [tilespmem:$0x140D0]  }
0x6f: {  	v2 =	vld [tilespmem:$0x140E0]  }
0x70: {  	v0 =	vld [tilespmem:$0x140F0];
	_ =	swait.ge [sflag:s26], $0x2000  }
0x71: {  	[sflag:s26] =	ssyncset.done $0x0  }
0x72: {  	[sflag:s26] =	ssyncadd.s32 $0xFFFFE000  }
0x73: {  	s16 =	simm.s32 $0x40;
	v8 =	vld.idx.msk [tilespmem:v8+s25+$0x0], $0xffff  }
0x74: {  	v9 =	vld [tilespmem:s16+$0xFFFFFFF0]  }
0x75: {  	v10 =	vld [tilespmem:s16+$0xFFFFFFD0]  }
0x76: {  	v11 =	vld [tilespmem:s16+$0xFFFFFFC0]  }
0x77: {  	v12 =	vld [tilespmem:s16+$0xFFFFFFE0]  }
0x78: {  	v13 =	vld [tilespmem:s16+$0x30]  }
0x79: {  	v16 =	vld [tilespmem:s16+$0x10];
	v14 =	vadd.f32 v8, v6;
	v15 =	vadd.f32 v8, v7  }
0x7a: {  	v19 =	vld [tilespmem:s16+$0x0];
	v17 =	vadd.f32 v8, v5;
	v18 =	vadd.f32 v8, v4  }
0x7b: {  	v11 =	vadd.f32 v14, v11;
	v10 =	vadd.f32 v10, v15;
	v14 =	vld [tilespmem:s16+$0x20]  }
0x7c: {  	v12 =	vadd.f32 v12, v17;
	v15 =	vadd.f32 v9, v18  }
0x7d: {  	v9 =	vadd.f32 v8, v3;
	[tilespmem:s16+$0xFFFFFFC0] =	vst v11;
	v11 =	vadd.f32 v8, v1  }
0x7e: {  	v62 =	vadd.f32 v8, v2;
	v63 =	vadd.f32 v8, v0;
	[tilespmem:s16+$0xFFFFFFD0] =	vst v10  }
0x7f: {  	s20 =	simm.s32 $0x1;
	[tilespmem:s16+$0xFFFFFFE0] =	vst v12;
	v10 =	vadd.f32 v19, v9;
	v9 =	vadd.f32 v16, v11  }
0x80: {  	s18 =	simm.s32 $0x2;
	v8 =	vmov s20;
	[tilespmem:s16+$0xFFFFFFF0] =	vst v15;
	v11 =	vadd.f32 v13, v63;
	v12 =	vadd.f32 v14, v62  }
.LBB2_6:
0x81: {  	p0 =	sne.s32 s18, $0x3F;
	[tilespmem:s16+$0x0] =	vst v10  }
0x82: {  	[tilespmem:s16+$0x10] =	vst v9  }
0x83: {  	[tilespmem:s16+$0x20] =	vst v12  }
0x84: {  	[tilespmem:s16+$0x30] =	vst v11  }
0x85: {  	s16 =	sadd.s32 $0x80, s16;
	v8 =	vld.idx.msk [tilespmem:v8+s25+$0x0], $0xffff  }
0x86: {  	v9 =	vld [tilespmem:s16+$0xFFFFFFF0]  }
0x87: {  	v10 =	vld [tilespmem:s16+$0xFFFFFFD0]  }
0x88: {  	v11 =	vld [tilespmem:s16+$0xFFFFFFC0]  }
0x89: {  	v12 =	vld [tilespmem:s16+$0xFFFFFFE0]  }
0x8a: {  	v13 =	vld [tilespmem:s16+$0x30]  }
0x8b: {  	v14 =	vadd.f32 v8, v6;
	v15 =	vadd.f32 v8, v7;
	v16 =	vld [tilespmem:s16+$0x10]  }
0x8c: {  	v17 =	vadd.f32 v8, v5;
	v18 =	vadd.f32 v8, v4;
	v19 =	vld [tilespmem:s16+$0x0]  }
0x8d: {  	v10 =	vadd.f32 v10, v15;
	v11 =	vadd.f32 v14, v11;
	v14 =	vld [tilespmem:s16+$0x20]  }
.Ltmp2:
0x8e: {  	v15 =	vadd.f32 v9, v18;
	v12 =	vadd.f32 v12, v17;
	(pc) =	sbr.rel @p0 .LBB2_6-.Ltmp2, $4  }
0x8f: {  	v9 =	vadd.f32 v8, v3;
	[tilespmem:s16+$0xFFFFFFC0] =	vst v11;
	v11 =	vadd.f32 v8, v1  }
0x90: {  	v18 =	vadd.f32 v8, v0;
	v17 =	vadd.f32 v8, v2;
	[tilespmem:s16+$0xFFFFFFD0] =	vst v10  }
0x91: {  	[tilespmem:s16+$0xFFFFFFE0] =	vst v12;
	v10 =	vadd.f32 v19, v9;
	v9 =	vadd.f32 v16, v11  }
0x92: {  	v8 =	vmov s18;
	s18 =	sadd.s32 $0x1, s18;
	v11 =	vadd.f32 v13, v18;
	[tilespmem:s16+$0xFFFFFFF0] =	vst v15;
	v12 =	vadd.f32 v14, v17  }
0x93: {  	[tilespmem:s16+$0x0] =	vst v10  }
0x94: {  	[tilespmem:s16+$0x10] =	vst v9  }
0x95: {  	[tilespmem:s16+$0x20] =	vst v12  }
0x96: {  	[tilespmem:s16+$0x30] =	vst v11  }
0x97: {  	s5 =	sadd.s32 $0x80, s16;
	v8 =	vld.idx.msk [tilespmem:v8+s25+$0x0], $0xffff  }
0x98: {  	v9 =	vld [tilespmem:s5+$0xFFFFFFC0]  }
0x99: {  	v10 =	vld [tilespmem:s5+$0xFFFFFFD0]  }
0x9a: {  	v11 =	vld [tilespmem:s5+$0xFFFFFFE0]  }
0x9b: {  	v12 =	vld [tilespmem:s5+$0xFFFFFFF0]  }
0x9c: {  	v13 =	vadd.f32 v8, v6  }
0x9d: {  	v15 =	vld [tilespmem:s5+$0x0];
	v14 =	vadd.f32 v8, v7;
	v17 =	vadd.f32 v8, v5  }
0x9e: {  	v16 =	vld [tilespmem:s5+$0x10];
	v9 =	vadd.f32 v13, v9;
	v13 =	vadd.f32 v8, v4  }
0x9f: {  	v18 =	vld [tilespmem:s5+$0x30];
	v10 =	vadd.f32 v10, v14;
	v11 =	vadd.f32 v11, v17  }
0xa0: {  	v14 =	vld [tilespmem:s5+$0x20];
	[tilespmem:s5+$0xFFFFFFC0] =	vst v9;
	v9 =	vadd.f32 v8, v3;
	v12 =	vadd.f32 v12, v13  }
0xa1: {  	v13 =	vadd.f32 v8, v1;
	[tilespmem:s5+$0xFFFFFFD0] =	vst v10;
	v10 =	vadd.f32 v8, v2  }
0xa2: {  	[tilespmem:s5+$0xFFFFFFE0] =	vst v11;
	v8 =	vadd.f32 v8, v0;
	v9 =	vadd.f32 v15, v9  }
0xa3: {  	v11 =	vadd.f32 v16, v13;
	[tilespmem:s5+$0xFFFFFFF0] =	vst v12  }
0xa4: {  	v8 =	vadd.f32 v18, v8;
	[tilespmem:s5+$0x0] =	vst v9  }
0xa5: {  	v10 =	vadd.f32 v14, v10;
	[tilespmem:s5+$0x10] =	vst v11  }
0xa6: {  	s19 =	simm.s32 $0x40;
	[tilespmem:s5+$0x30] =	vst v8  }
0xa7: {  	v8 =	vmov s19;
	[tilespmem:s5+$0x20] =	vst v10  }
0xa8: {  	[hbm4b:s11+s4] =	stream.linear.scatter [tilespmem:s4], [sflag:$0x5], $0x2000, $0x38;
	[tilespmem:$0x14200] =	vst v63  }
0xa9: {  	_ =	swait.ge [sflag:s28], $0x2000  }
0xaa: {  	[sflag:s28] =	ssyncset.done $0x0  }
0xab: {  	[sflag:s28] =	ssyncadd.s32 $0xFFFFE000  }
0xac: {  	s16 =	simm.s32 $0x2070;
	v8 =	vld.idx.msk [tilespmem:v8+s25+$0x0], $0xffff  }
0xad: {  	v9 =	vld [tilespmem:s16+$0xFFFFFFC0]  }
0xae: {  	v10 =	vld [tilespmem:s16+$0xFFFFFFA0]  }
0xaf: {  	v11 =	vld [tilespmem:s16+$0xFFFFFF90]  }
0xb0: {  	v12 =	vld [tilespmem:s16+$0xFFFFFFB0]  }
0xb1: {  	v13 =	vld [tilespmem:s16+$0xFFFFFFF0]  }
0xb2: {  	v59 =	vld [tilespmem:s16+$0xFFFFFFE0];
	v14 =	vadd.f32 v8, v6;
	v15 =	vadd.f32 v8, v7  }
0xb3: {  	v19 =	vld [tilespmem:s16+$0xFFFFFFD0];
	v60 =	vadd.f32 v8, v5;
	v61 =	vadd.f32 v8, v4  }
0xb4: {  	v62 =	vadd.f32 v8, v2;
	v11 =	vadd.f32 v14, v11;
	v14 =	vld [tilespmem:s16+$0x0]  }
0xb5: {  	v10 =	vadd.f32 v10, v15;
	v12 =	vadd.f32 v12, v60  }
0xb6: {  	v15 =	vadd.f32 v9, v61;
	v9 =	vadd.f32 v8, v3;
	[tilespmem:s16+$0xFFFFFF90] =	vst v11  }
0xb7: {  	v63 =	vadd.f32 v8, v0;
	v11 =	vadd.f32 v8, v1;
	[tilespmem:s16+$0xFFFFFFA0] =	vst v10  }
0xb8: {  	s20 =	simm.s32 $0x41;
	[tilespmem:s16+$0xFFFFFFB0] =	vst v12;
	v10 =	vadd.f32 v19, v9;
	v12 =	vadd.f32 v13, v62  }
0xb9: {  	s18 =	simm.s32 $0x42;
	v8 =	vmov s20;
	[tilespmem:s16+$0xFFFFFFC0] =	vst v15;
	v9 =	vadd.f32 v59, v11;
	v11 =	vadd.f32 v14, v63  }
.LBB2_8:
0xba: {  	p0 =	sne.s32 s18, $0x7F;
	[tilespmem:s16+$0xFFFFFFD0] =	vst v10  }
0xbb: {  	[tilespmem:s16+$0xFFFFFFE0] =	vst v9  }
0xbc: {  	[tilespmem:s16+$0xFFFFFFF0] =	vst v12  }
0xbd: {  	[tilespmem:s16+$0x0] =	vst v11  }
0xbe: {  	s16 =	sadd.s32 $0x80, s16;
	v8 =	vld.idx.msk [tilespmem:v8+s25+$0x0], $0xffff  }
0xbf: {  	v9 =	vld [tilespmem:s16+$0xFFFFFFC0]  }
0xc0: {  	v10 =	vld [tilespmem:s16+$0xFFFFFFA0]  }
0xc1: {  	v11 =	vld [tilespmem:s16+$0xFFFFFF90]  }
0xc2: {  	v12 =	vld [tilespmem:s16+$0xFFFFFFB0]  }
0xc3: {  	v13 =	vld [tilespmem:s16+$0xFFFFFFF0]  }
0xc4: {  	v14 =	vadd.f32 v8, v6;
	v15 =	vadd.f32 v8, v7;
	v16 =	vld [tilespmem:s16+$0xFFFFFFE0]  }
0xc5: {  	v17 =	vadd.f32 v8, v5;
	v18 =	vadd.f32 v8, v4;
	v19 =	vld [tilespmem:s16+$0xFFFFFFD0]  }
0xc6: {  	v10 =	vadd.f32 v10, v15;
	v11 =	vadd.f32 v14, v11;
	v14 =	vld [tilespmem:s16+$0x0]  }
.Ltmp3:
0xc7: {  	v15 =	vadd.f32 v9, v18;
	v12 =	vadd.f32 v12, v17;
	(pc) =	sbr.rel @p0 .LBB2_8-.Ltmp3, $4  }
0xc8: {  	v9 =	vadd.f32 v8, v3;
	[tilespmem:s16+$0xFFFFFF90] =	vst v11;
	v11 =	vadd.f32 v8, v1  }
0xc9: {  	v18 =	vadd.f32 v8, v0;
	v17 =	vadd.f32 v8, v2;
	[tilespmem:s16+$0xFFFFFFA0] =	vst v10  }
0xca: {  	[tilespmem:s16+$0xFFFFFFB0] =	vst v12;
	v10 =	vadd.f32 v19, v9;
	v9 =	vadd.f32 v16, v11  }
0xcb: {  	v8 =	vmov s18;
	s18 =	sadd.s32 $0x1, s18;
	v12 =	vadd.f32 v13, v17;
	[tilespmem:s16+$0xFFFFFFC0] =	vst v15;
	v11 =	vadd.f32 v14, v18  }
0xcc: {  	[tilespmem:s16+$0xFFFFFFD0] =	vst v10  }
0xcd: {  	[tilespmem:s16+$0xFFFFFFE0] =	vst v9  }
0xce: {  	[tilespmem:s16+$0xFFFFFFF0] =	vst v12  }
0xcf: {  	[tilespmem:s16+$0x0] =	vst v11  }
0xd0: {  	v8 =	vld.idx.msk [tilespmem:v8+s25+$0x0], $0xffff  }
0xd1: {  	s5 =	sadd.s32 $0x80, s16  }
0xd2: {  	v9 =	vld [tilespmem:s5+$0xFFFFFF90]  }
0xd3: {  	v10 =	vld [tilespmem:s5+$0xFFFFFFA0]  }
0xd4: {  	v11 =	vld [tilespmem:s5+$0xFFFFFFB0]  }
0xd5: {  	v12 =	vld [tilespmem:s5+$0xFFFFFFC0];
	v13 =	vadd.f32 v8, v6  }
0xd6: {  	v16 =	vld [tilespmem:s5+$0xFFFFFFE0];
	v14 =	vadd.f32 v8, v7  }
0xd7: {  	v15 =	vld [tilespmem:s5+$0xFFFFFFD0];
	v17 =	vadd.f32 v8, v5;
	v9 =	vadd.f32 v13, v9  }
0xd8: {  	v18 =	vadd.f32 v8, v4;
	v13 =	vld [tilespmem:s5+$0xFFFFFFF0];
	v10 =	vadd.f32 v10, v14  }
0xd9: {  	v58 =	vadd.f32 v8, v1;
	v14 =	vld [tilespmem:s5+$0x0];
	v11 =	vadd.f32 v11, v17;
	[tilespmem:s5+$0xFFFFFF90] =	vst v9  }
0xda: {  	v12 =	vadd.f32 v12, v18;
	v9 =	vadd.f32 v8, v3;
	[tilespmem:s5+$0xFFFFFFA0] =	vst v10  }
0xdb: {  	v10 =	vadd.f32 v8, v2;
	[tilespmem:s5+$0xFFFFFFB0] =	vst v11;
	v11 =	vadd.f32 v16, v58  }
0xdc: {  	v8 =	vadd.f32 v8, v0;
	[tilespmem:s5+$0xFFFFFFC0] =	vst v12;
	v9 =	vadd.f32 v15, v9  }
0xdd: {  	[tilespmem:s5+$0xFFFFFFE0] =	vst v11;
	v10 =	vadd.f32 v13, v10  }
0xde: {  	v8 =	vadd.f32 v14, v8;
	[tilespmem:s5+$0xFFFFFFD0] =	vst v9  }
0xdf: {  	s19 =	simm.s32 $0x80;
	[tilespmem:s5+$0xFFFFFFF0] =	vst v10  }
0xe0: {  	s20 =	simm.s32 $0x0;
	[tilespmem:s5+$0x0] =	vst v8;
	v8 =	vmov s19  }
0xe1: {  	[hbm4b:s12+s20] =	stream.linear.scatter [tilespmem:s21], [sflag:$0x6], $0x2000, $0x38;
	[tilespmem:$0x14200] =	vst v63  }
0xe2: {  	_ =	swait.ge [sflag:s29], $0x2000  }
0xe3: {  	[sflag:s29] =	ssyncset.done $0x0  }
0xe4: {  	[sflag:s29] =	ssyncadd.s32 $0xFFFFE000  }
0xe5: {  	s16 =	simm.s32 $0x0;
	v8 =	vld.idx.msk [tilespmem:v8+s25+$0x0], $0xffff  }
0xe6: {  	v9 =	vld [tilespmem:s16+$0x4030]  }
0xe7: {  	v10 =	vld [tilespmem:s16+$0x4010]  }
0xe8: {  	v11 =	vld [tilespmem:s16+$0x4000]  }
0xe9: {  	v12 =	vld [tilespmem:s16+$0x4020]  }
0xea: {  	v13 =	vld [tilespmem:s16+$0x4070]  }
0xeb: {  	v59 =	vld [tilespmem:s16+$0x4050];
	v14 =	vadd.f32 v8, v6;
	v15 =	vadd.f32 v8, v7  }
0xec: {  	v19 =	vld [tilespmem:s16+$0x4040];
	v60 =	vadd.f32 v8, v5;
	v61 =	vadd.f32 v8, v4  }
0xed: {  	v11 =	vadd.f32 v14, v11;
	v10 =	vadd.f32 v10, v15;
	v14 =	vld [tilespmem:s16+$0x4060]  }
0xee: {  	v12 =	vadd.f32 v12, v60;
	v15 =	vadd.f32 v9, v61  }
0xef: {  	v9 =	vadd.f32 v8, v3;
	[tilespmem:s16+$0x4000] =	vst v11;
	v11 =	vadd.f32 v8, v1  }
0xf0: {  	v62 =	vadd.f32 v8, v2;
	v63 =	vadd.f32 v8, v0;
	[tilespmem:s16+$0x4010] =	vst v10  }
0xf1: {  	s19 =	simm.s32 $0x81;
	[tilespmem:s16+$0x4020] =	vst v12;
	v10 =	vadd.f32 v19, v9;
	v9 =	vadd.f32 v59, v11  }
0xf2: {  	s18 =	simm.s32 $0x200;
	s20 =	simm.s32 $0x400;
	v8 =	vmov s19;
	[tilespmem:s16+$0x4030] =	vst v15;
	v11 =	vadd.f32 v13, v63;
	v12 =	vadd.f32 v14, v62  }
.LBB2_10:
0xf3: {  	p0 =	sne.s32 s20, $0x7E00;
	[tilespmem:s16+$0x4040] =	vst v10  }
0xf4: {  	[tilespmem:s16+$0x4050] =	vst v9  }
0xf5: {  	[tilespmem:s16+$0x4060] =	vst v12  }
0xf6: {  	[tilespmem:s16+$0x4070] =	vst v11  }
0xf7: {  	s16 =	sshra.s32 s18, $0x2;
	s18 =	smov.u32 s20;
	v8 =	vld.idx.msk [tilespmem:v8+s25+$0x0], $0xffff  }
0xf8: {  	v9 =	vld [tilespmem:s16+$0x4030]  }
0xf9: {  	v10 =	vld [tilespmem:s16+$0x4010]  }
0xfa: {  	v11 =	vld [tilespmem:s16+$0x4000]  }
0xfb: {  	v12 =	vld [tilespmem:s16+$0x4020]  }
0xfc: {  	v13 =	vld [tilespmem:s16+$0x4070]  }
0xfd: {  	v14 =	vadd.f32 v8, v6;
	v15 =	vadd.f32 v8, v7;
	v16 =	vld [tilespmem:s16+$0x4050]  }
0xfe: {  	v17 =	vadd.f32 v8, v5;
	v18 =	vadd.f32 v8, v4;
	v19 =	vld [tilespmem:s16+$0x4040]  }
0xff: {  	v10 =	vadd.f32 v10, v15;
	v11 =	vadd.f32 v14, v11;
	v14 =	vld [tilespmem:s16+$0x4060]  }
.Ltmp4:
0x100: {  	v15 =	vadd.f32 v9, v18;
	v12 =	vadd.f32 v12, v17;
	(pc) =	sbr.rel @p0 .LBB2_10-.Ltmp4, $4  }
0x101: {  	v9 =	vadd.f32 v8, v3;
	[tilespmem:s16+$0x4000] =	vst v11;
	v11 =	vadd.f32 v8, v1  }
0x102: {  	v18 =	vadd.f32 v8, v0;
	v17 =	vadd.f32 v8, v2;
	[tilespmem:s16+$0x4010] =	vst v10  }
0x103: {  	s19 =	sadd.s32 $0x1, s19;
	[tilespmem:s16+$0x4020] =	vst v12;
	v10 =	vadd.f32 v19, v9;
	v9 =	vadd.f32 v16, v11  }
0x104: {  	s20 =	sadd.s32 $0x200, s20;
	v8 =	vmov s19;
	v11 =	vadd.f32 v13, v18;
	[tilespmem:s16+$0x4030] =	vst v15;
	v12 =	vadd.f32 v14, v17  }
0x105: {  	[tilespmem:s16+$0x4040] =	vst v10  }
0x106: {  	[tilespmem:s16+$0x4050] =	vst v9  }
0x107: {  	[tilespmem:s16+$0x4060] =	vst v12  }
0x108: {  	[tilespmem:s16+$0x4070] =	vst v11  }
0x109: {  	s5 =	sshra.s32 s18, $0x2;
	v8 =	vld.idx.msk [tilespmem:v8+s25+$0x0], $0xffff  }
0x10a: {  	v9 =	vld [tilespmem:s5+$0x4000]  }
0x10b: {  	v10 =	vld [tilespmem:s5+$0x4010]  }
0x10c: {  	v11 =	vld [tilespmem:s5+$0x4020]  }
0x10d: {  	v12 =	vld [tilespmem:s5+$0x4030]  }
0x10e: {  	v13 =	vadd.f32 v8, v6  }
0x10f: {  	v15 =	vld [tilespmem:s5+$0x4040];
	v14 =	vadd.f32 v8, v7;
	v17 =	vadd.f32 v8, v5  }
0x110: {  	v16 =	vld [tilespmem:s5+$0x4050];
	v9 =	vadd.f32 v13, v9;
	v13 =	vadd.f32 v8, v4  }
0x111: {  	v18 =	vld [tilespmem:s5+$0x4070];
	v10 =	vadd.f32 v10, v14;
	v11 =	vadd.f32 v11, v17  }
0x112: {  	v14 =	vld [tilespmem:s5+$0x4060];
	[tilespmem:s5+$0x4000] =	vst v9;
	v9 =	vadd.f32 v8, v3;
	v12 =	vadd.f32 v12, v13  }
0x113: {  	v13 =	vadd.f32 v8, v1;
	[tilespmem:s5+$0x4010] =	vst v10;
	v10 =	vadd.f32 v8, v2  }
0x114: {  	[tilespmem:s5+$0x4020] =	vst v11;
	v8 =	vadd.f32 v8, v0;
	v9 =	vadd.f32 v15, v9  }
0x115: {  	v11 =	vadd.f32 v16, v13;
	[tilespmem:s5+$0x4030] =	vst v12  }
0x116: {  	v8 =	vadd.f32 v18, v8;
	[tilespmem:s5+$0x4040] =	vst v9  }
0x117: {  	v10 =	vadd.f32 v14, v10;
	[tilespmem:s5+$0x4050] =	vst v11  }
0x118: {  	s19 =	simm.s32 $0xC0;
	[tilespmem:s5+$0x4070] =	vst v8  }
0x119: {  	s20 =	simm.s32 $0x0;
	v8 =	vmov s19;
	[tilespmem:s5+$0x4060] =	vst v10  }
0x11a: {  	[hbm4b:s13+s20] =	stream.linear.scatter [tilespmem:s22], [sflag:$0x7], $0x2000, $0x38;
	[tilespmem:$0x14200] =	vst v63  }
0x11b: {  	_ =	swait.ge [sflag:s30], $0x2000  }
0x11c: {  	[sflag:s30] =	ssyncset.done $0x0  }
0x11d: {  	[sflag:s30] =	ssyncadd.s32 $0xFFFFE000  }
0x11e: {  	s16 =	simm.s32 $0x0;
	v8 =	vld.idx.msk [tilespmem:v8+s25+$0x0], $0xffff  }
0x11f: {  	v9 =	vld [tilespmem:s16+$0x6030]  }
0x120: {  	v10 =	vld [tilespmem:s16+$0x6010]  }
0x121: {  	v11 =	vld [tilespmem:s16+$0x6000]  }
0x122: {  	v12 =	vld [tilespmem:s16+$0x6020]  }
0x123: {  	v13 =	vld [tilespmem:s16+$0x6070]  }
0x124: {  	v59 =	vld [tilespmem:s16+$0x6050];
	v14 =	vadd.f32 v8, v6;
	v15 =	vadd.f32 v8, v7  }
0x125: {  	v19 =	vld [tilespmem:s16+$0x6040];
	v60 =	vadd.f32 v8, v5;
	v61 =	vadd.f32 v8, v4  }
0x126: {  	v11 =	vadd.f32 v14, v11;
	v10 =	vadd.f32 v10, v15;
	v14 =	vld [tilespmem:s16+$0x6060]  }
0x127: {  	v12 =	vadd.f32 v12, v60;
	v15 =	vadd.f32 v9, v61  }
0x128: {  	v9 =	vadd.f32 v8, v3;
	[tilespmem:s16+$0x6000] =	vst v11;
	v11 =	vadd.f32 v8, v1  }
0x129: {  	v62 =	vadd.f32 v8, v2;
	v63 =	vadd.f32 v8, v0;
	[tilespmem:s16+$0x6010] =	vst v10  }
0x12a: {  	s19 =	simm.s32 $0xC1;
	[tilespmem:s16+$0x6020] =	vst v12;
	v10 =	vadd.f32 v19, v9;
	v9 =	vadd.f32 v59, v11  }
0x12b: {  	s18 =	simm.s32 $0x200;
	s20 =	simm.s32 $0x400;
	v8 =	vmov s19;
	[tilespmem:s16+$0x6030] =	vst v15;
	v11 =	vadd.f32 v13, v63;
	v12 =	vadd.f32 v14, v62  }
.LBB2_12:
0x12c: {  	p0 =	sne.s32 s20, $0x7E00;
	[tilespmem:s16+$0x6040] =	vst v10  }
0x12d: {  	[tilespmem:s16+$0x6050] =	vst v9  }
0x12e: {  	[tilespmem:s16+$0x6060] =	vst v12  }
0x12f: {  	[tilespmem:s16+$0x6070] =	vst v11  }
0x130: {  	s16 =	sshra.s32 s18, $0x2;
	s18 =	smov.u32 s20;
	v8 =	vld.idx.msk [tilespmem:v8+s25+$0x0], $0xffff  }
0x131: {  	v9 =	vld [tilespmem:s16+$0x6030]  }
0x132: {  	v10 =	vld [tilespmem:s16+$0x6010]  }
0x133: {  	v11 =	vld [tilespmem:s16+$0x6000]  }
0x134: {  	v12 =	vld [tilespmem:s16+$0x6020]  }
0x135: {  	v13 =	vld [tilespmem:s16+$0x6070]  }
0x136: {  	v14 =	vadd.f32 v8, v6;
	v15 =	vadd.f32 v8, v7;
	v16 =	vld [tilespmem:s16+$0x6050]  }
0x137: {  	v17 =	vadd.f32 v8, v5;
	v18 =	vadd.f32 v8, v4;
	v19 =	vld [tilespmem:s16+$0x6040]  }
0x138: {  	v10 =	vadd.f32 v10, v15;
	v11 =	vadd.f32 v14, v11;
	v14 =	vld [tilespmem:s16+$0x6060]  }
.Ltmp5:
0x139: {  	v15 =	vadd.f32 v9, v18;
	v12 =	vadd.f32 v12, v17;
	(pc) =	sbr.rel @p0 .LBB2_12-.Ltmp5, $4  }
0x13a: {  	v9 =	vadd.f32 v8, v3;
	[tilespmem:s16+$0x6000] =	vst v11;
	v11 =	vadd.f32 v8, v1  }
0x13b: {  	v18 =	vadd.f32 v8, v0;
	v17 =	vadd.f32 v8, v2;
	[tilespmem:s16+$0x6010] =	vst v10  }
0x13c: {  	s19 =	sadd.s32 $0x1, s19;
	[tilespmem:s16+$0x6020] =	vst v12;
	v10 =	vadd.f32 v19, v9;
	v9 =	vadd.f32 v16, v11  }
0x13d: {  	s20 =	sadd.s32 $0x200, s20;
	v8 =	vmov s19;
	v11 =	vadd.f32 v13, v18;
	[tilespmem:s16+$0x6030] =	vst v15;
	v12 =	vadd.f32 v14, v17  }
0x13e: {  	[tilespmem:s16+$0x6040] =	vst v10  }
0x13f: {  	[tilespmem:s16+$0x6050] =	vst v9  }
0x140: {  	[tilespmem:s16+$0x6060] =	vst v12  }
0x141: {  	[tilespmem:s16+$0x6070] =	vst v11  }
0x142: {  	v8 =	vld.idx.msk [tilespmem:v8+s25+$0x0], $0xffff  }
0x143: {  	s5 =	sshra.s32 s18, $0x2  }
0x144: {  	v9 =	vld [tilespmem:s5+$0x6000]  }
0x145: {  	v10 =	vld [tilespmem:s5+$0x6010]  }
0x146: {  	v11 =	vld [tilespmem:s5+$0x6020]  }
0x147: {  	v12 =	vld [tilespmem:s5+$0x6030];
	v6 =	vadd.f32 v8, v6  }
0x148: {  	v13 =	vld [tilespmem:s5+$0x6040];
	v7 =	vadd.f32 v8, v7  }
0x149: {  	v14 =	vld [tilespmem:s5+$0x6050];
	v5 =	vadd.f32 v8, v5;
	v6 =	vadd.f32 v6, v9  }
0x14a: {  	v62 =	vld [tilespmem:s5+$0x6060];
	v4 =	vadd.f32 v8, v4;
	v7 =	vadd.f32 v10, v7  }
0x14b: {  	v63 =	vld [tilespmem:s5+$0x6070];
	v3 =	vadd.f32 v8, v3;
	v5 =	vadd.f32 v11, v5;
	[tilespmem:s5+$0x6000] =	vst v6  }
0x14c: {  	v1 =	vadd.f32 v8, v1;
	v4 =	vadd.f32 v12, v4;
	[tilespmem:s5+$0x6010] =	vst v7  }
0x14d: {  	v2 =	vadd.f32 v8, v2;
	v3 =	vadd.f32 v13, v3;
	[tilespmem:s5+$0x6020] =	vst v5  }
0x14e: {  	v0 =	vadd.f32 v8, v0;
	v1 =	vadd.f32 v14, v1;
	[tilespmem:s5+$0x6030] =	vst v4  }
0x14f: {  	v2 =	vadd.f32 v62, v2;
	[tilespmem:s5+$0x6040] =	vst v3  }
0x150: {  	v0 =	vadd.f32 v63, v0;
	[tilespmem:s5+$0x6050] =	vst v1  }
0x151: {  	[tilespmem:s5+$0x6060] =	vst v2  }
0x152: {  	[tilespmem:s5+$0x6070] =	vst v0  }
0x153: {  	[hbm4b:s14+s4] =	stream.linear.scatter [tilespmem:s23], [sflag:$0x8], $0x2000, $0x38;
	[tilespmem:$0x14200] =	vst v63  }
0x154: {  	_ =	swait.ge [sflag:s31], $0x2000  }
0x155: {  	[sflag:s31] =	ssyncset.done $0x0  }
0x156: {  	[sflag:s31] =	ssyncadd.s32 $0xFFFFE000  }
0x157: {  	_ =	swait.ge [sflag:s0], $0x2000  }
0x158: {  	[sflag:s0] =	ssyncset.done $0x0  }
0x159: {  	s3 =	sadd.s32 $0x1, s3;
	[sflag:s0] =	ssyncadd.s32 $0xFFFFE000  }
0x15a: {  	p0 =	sne.s32 s3, s15;
	_ =	swait.ge [sflag:s2], $0x2000  }
.Ltmp6:
0x15b: {  	[sflag:s2] =	ssyncset.done $0x0;
	(pc) =	sbr.rel @p0 .LBB2_1-.Ltmp6, $4  }
0x15c: {  	[sflag:s2] =	ssyncadd.s32 $0xFFFFE000  }
0x15d: {  	_ =	swait.ge [sflag:s1], $0x2000  }
0x15e: {  	[sflag:s1] =	ssyncset.done $0x0  }
0x15f: {  	[sflag:s1] =	ssyncadd.s32 $0xFFFFE000  }
0x160: {  	_ =	sfence.sel $0x180000  }
0x161: {  	[bflag:$0x0] =	sbarrier.arrive $0xFFFF  }
0x162: {  	_ =	strace $0x90000047  }
0x163: {  	s0 =	stileid.u32;
	[bflag:$0x2] =	sbarrier.arrive $0xFFFF  }
0x164: {  	p0 =	sne.s32 s0, $0x0;
	s0 =	rddreg [dreg:$0x5]  }
0x165: {  	s0 =	sadd.s32 @!p0 $0x100000, s0  }
0x166: {  	[sflag:s0] =	ssyncadd.tile.s32 @!p0 $0x1;
	_ =	shalt  }
.Lfunc_end2:
_tile_overlayer_lowered:
.L_overlay_start_2:
0x167: {  	(tag) =	ssettag $0x2  }
0x168: {  	s0 =	rddreg [dreg:$0x0];
	s2 =	stileid.u32  }
0x169: {  	s1 =	rddreg [dreg:$0x1];
	p0 =	sne.s32 s2, $0x0  }
0x16a: {  	s3 =	rddreg [dreg:$0x2];
	[bflag:$0x3] =	sbarrier.arrive $0xFFFF;
	s2 =	simm.s32 @!p0 $0x1C09  }
0x16b: {  	[timem:s3], [sflag:s2] =	dma.local @!p0 [hbm:s0], s1  }
0x16c: {  	s0 =	simm.s32 @!p0 $0x9  }
0x16d: {  	_ =	swait.ge @!p0 [sflag:s0], s1  }
0x16e: {  	s1 =	ssub.s32 @!p0 $0x0, s1;
	[sflag:s0] =	ssyncset.done @!p0 $0x0  }
0x16f: {  	[sflag:s0] =	ssyncadd.s32 @!p0 s1  }
0x170: {  	[bflag:$0x3] =	sbarrier.arrive $0xFFFF  }
0x171: {  	_ =	shalt  }

</sc_bundles>
